<compile_context>
chip_gen: v7x
topology: tpu7x:2x2x1
jax: 0.10.2.dev20260603
libtpu: 0.0.44.dev20260713+nightly
codegen_flags: <defaults>
</compile_context>

<pallas_src>
import jax
import jax.numpy as jnp
from jax import lax
from jax.experimental import pallas as pl
from jax.experimental.pallas import tpu as pltpu
from jax.experimental.pallas import tpu_sc as plsc

B, F, T, K = 4096, 64, 128, 64
NC, NS, L = 2, 16, 16
NW = NC * NS
BPW = B // NW
ROW = F * T
KH = K // 2
BH = BPW // 2
NB4 = BH // L
CSZ = KH * BH


def _sc_body(x_ref, off_ref, out_ref, off_v, idx_v, val_v, out_v, osem,
             sems, wsems):
    wid = lax.axis_index("s") * NC + lax.axis_index("c")
    base = wid * BPW

    ocp = pltpu.async_copy(off_ref, off_v.at[pl.ds(0, K)], osem)
    lanes = lax.iota(jnp.int32, L)
    row_base = [(base + g * L + lanes) * ROW for g in range(BPW // L)]
    ocp.wait()

    copies = []
    for hb in range(2):
        for hk in range(2):
            c = hb * 2 + hk

            def build(kl, carry):
                off_k = off_v[pl.ds(hk * KH + kl, L)][0]
                for b4 in range(NB4):
                    idx_v[pl.ds(c * CSZ + kl * BH + b4 * L, L)] = (
                        row_base[hb * NB4 + b4] + off_k)
                return carry

            lax.fori_loop(0, KH, build, 0, unroll=2)
            csl = pl.ds(c * CSZ, CSZ)
            copies.append(pltpu.async_copy(
                x_ref.at[idx_v.at[csl]], val_v.at[csl], sems[c]))

    wcps = []
    for hb in range(2):
        accs = [jnp.zeros((L,), jnp.float32) for _ in range(NB4)]
        for hk in range(2):
            c = hb * 2 + hk
            copies[c].wait()

            def red(kl, accs):
                out = []
                for b4 in range(NB4):
                    v = val_v[pl.ds(c * CSZ + kl * BH + b4 * L, L)]
                    out.append(accs[b4] + v * v)
                return tuple(out)

            accs = lax.fori_loop(0, KH, red, tuple(accs), unroll=2)

        for b4 in range(NB4):
            out_v[pl.ds(hb * BH + b4 * L, L)] = accs[b4]
        wcps.append(pltpu.async_copy(
            out_v.at[pl.ds(hb * BH, BH)],
            out_ref.at[pl.ds(base + hb * BH, BH)], wsems[hb]))

    for wcp in wcps:
        wcp.wait()


@jax.jit
def kernel(x, f_idx, t_idx):
    off = f_idx * T + t_idx
    kern = pl.kernel(
        _sc_body,
        out_type=jax.ShapeDtypeStruct((B,), jnp.float32),
        mesh=plsc.VectorSubcoreMesh(core_axis_name="c", subcore_axis_name="s"),
        scratch_types=[
            pltpu.VMEM((K + L,), jnp.int32),
            pltpu.VMEM((K * BPW,), jnp.int32),
            pltpu.VMEM((K * BPW,), jnp.float32),
            pltpu.VMEM((BPW,), jnp.float32),
            pltpu.SemaphoreType.DMA,
            [pltpu.SemaphoreType.DMA] * 4,
            [pltpu.SemaphoreType.DMA] * 2,
        ],
    )
    return kern(x.reshape(-1), off)

# --- scband reference (transcript-rebuilt; emitter-appended) ---
"""Pipeline reference for scband-rare-model-4853313044844 (READ-ONLY COPY).

The authoritative reference and input builder live on the scoring server;
editing this copy changes nothing except your own understanding.
"""

import jax, jax.numpy as jnp
import numpy as np

# index pairs matching init_kwargs: f[i] = (7*i) % 64, t[i] = (13*i) % 128
F_IDX = (7 * np.arange(64)) % 64
T_IDX = (13 * np.arange(64)) % 128


def setup_inputs(seed: int = 0) -> dict:
    key = jax.random.key(seed)
    x = jax.random.normal(key, (4096, 64, 128), dtype=jnp.float32)
    f_idx = jnp.asarray(F_IDX, dtype=jnp.int32)
    t_idx = jnp.asarray(T_IDX, dtype=jnp.int32)
    return {"x": x, "f_idx": f_idx, "t_idx": t_idx}


def reference(x, f_idx, t_idx):
    # Faithful translation of: out = torch.sum(x[:, self.f, self.t] ** 2, axis=1)
    # Advanced indexing: gathers len(f) scattered (f, t) entries per batch row -> [B, K]
    gathered = x[:, f_idx, t_idx]
    out = jnp.sum(gathered ** 2, axis=1)
    return out

if __name__ == "__main__":
    import jax
    _d = setup_inputs()
    print(jax.jit(kernel)(*tuple(_d.values())))

</pallas_src>

<mosaic_0001>
#map = affine_map<(d0, d1) -> (0)>
module attributes {stable_mosaic.version = 14 : i64} {
  func.func @_sc_body(%arg0: i32, %arg1: i32, %arg2: memref<33554432xf32, #tpu.memory_space<hbm>>, %arg3: memref<64xi32, #tpu.memory_space<hbm>>, %arg4: memref<4096xf32, #tpu.memory_space<hbm>>, %arg5: memref<80xi32, #tpu.memory_space<vmem>>, %arg6: memref<8192xi32, #tpu.memory_space<vmem>>, %arg7: memref<8192xf32, #tpu.memory_space<vmem>>, %arg8: memref<128xf32, #tpu.memory_space<vmem>>, %arg9: memref<!tpu.dma_semaphore, #tpu.memory_space<semaphore_mem>>, %arg10: memref<!tpu.dma_semaphore, #tpu.memory_space<semaphore_mem>>, %arg11: memref<!tpu.dma_semaphore, #tpu.memory_space<semaphore_mem>>, %arg12: memref<!tpu.dma_semaphore, #tpu.memory_space<semaphore_mem>>, %arg13: memref<!tpu.dma_semaphore, #tpu.memory_space<semaphore_mem>>, %arg14: memref<!tpu.dma_semaphore, #tpu.memory_space<semaphore_mem>>, %arg15: memref<!tpu.dma_semaphore, #tpu.memory_space<semaphore_mem>>) attributes {dimension_semantics = [#tpu.dimension_semantics<core_parallel>, #tpu.dimension_semantics<subcore_parallel>], iteration_bounds = array<i64: 2, 16>, scalar_prefetch = 0 : i64, scratch_operands = 11 : i64, tpu.core_type = #tpu.core_type<sc_vector_subcore>, window_params = [{transform_indices = #map}, {transform_indices = #map}, {transform_indices = #map}]} {
    %mul3A = arith.constant 2 : i32
    %mul3A_0 = arith.muli %arg1, %mul3A : i32
    %add3A = arith.addi %mul3A_0, %arg0 : i32
    %mul3A_1 = arith.constant 128 : i32
    %mul3A_2 = arith.muli %add3A, %mul3A_1 : i32
    %dma_start3A = arith.constant 0 : i32
    %dma_start3A_3 = tpu.memref_slice %arg5[%dma_start3A] : memref<80xi32, #tpu.memory_space<vmem>> -> memref<64xi32, #tpu.memory_space<vmem>>
    %dma_start3A_4 = arith.constant 0 : i32
    %dma_start3A_5 = tpu.memref_slice %arg5[%dma_start3A_4] : memref<80xi32, #tpu.memory_space<vmem>> -> memref<64xi32, #tpu.memory_space<vmem>>
    tpu.enqueue_dma source(%arg3 : memref<64xi32, #tpu.memory_space<hbm>>) target(%dma_start3A_5 : memref<64xi32, #tpu.memory_space<vmem>>) target_semaphore(%arg9 : memref<!tpu.dma_semaphore, #tpu.memory_space<semaphore_mem>>)
    %iota3A = tpu.iota {dimensions = array<i32: 0>} : vector<16xi32>
    %add3A_6 = arith.constant 0 : i32
    %add3A_7 = arith.addi %mul3A_2, %add3A_6 : i32
    %add3A_8 = vector.broadcast %add3A_7 : i32 to vector<16xi32>
    %add3A_9 = arith.addi %add3A_8, %iota3A : vector<16xi32>
    %mul3A_10 = arith.constant 8192 : i32
    %mul3A_11 = vector.broadcast %mul3A_10 : i32 to vector<16xi32>
    %mul3A_12 = arith.muli %add3A_9, %mul3A_11 : vector<16xi32>
    %add3A_13 = arith.constant 16 : i32
    %add3A_14 = arith.addi %mul3A_2, %add3A_13 : i32
    %add3A_15 = vector.broadcast %add3A_14 : i32 to vector<16xi32>
    %add3A_16 = arith.addi %add3A_15, %iota3A : vector<16xi32>
    %mul3A_17 = arith.constant 8192 : i32
    %mul3A_18 = vector.broadcast %mul3A_17 : i32 to vector<16xi32>
    %mul3A_19 = arith.muli %add3A_16, %mul3A_18 : vector<16xi32>
    %add3A_20 = arith.constant 32 : i32
    %add3A_21 = arith.addi %mul3A_2, %add3A_20 : i32
    %add3A_22 = vector.broadcast %add3A_21 : i32 to vector<16xi32>
    %add3A_23 = arith.addi %add3A_22, %iota3A : vector<16xi32>
    %mul3A_24 = arith.constant 8192 : i32
    %mul3A_25 = vector.broadcast %mul3A_24 : i32 to vector<16xi32>
    %mul3A_26 = arith.muli %add3A_23, %mul3A_25 : vector<16xi32>
    %add3A_27 = arith.constant 48 : i32
    %add3A_28 = arith.addi %mul3A_2, %add3A_27 : i32
    %add3A_29 = vector.broadcast %add3A_28 : i32 to vector<16xi32>
    %add3A_30 = arith.addi %add3A_29, %iota3A : vector<16xi32>
    %mul3A_31 = arith.constant 8192 : i32
    %mul3A_32 = vector.broadcast %mul3A_31 : i32 to vector<16xi32>
    %mul3A_33 = arith.muli %add3A_30, %mul3A_32 : vector<16xi32>
    %add3A_34 = arith.constant 64 : i32
    %add3A_35 = arith.addi %mul3A_2, %add3A_34 : i32
    %add3A_36 = vector.broadcast %add3A_35 : i32 to vector<16xi32>
    %add3A_37 = arith.addi %add3A_36, %iota3A : vector<16xi32>
    %mul3A_38 = arith.constant 8192 : i32
    %mul3A_39 = vector.broadcast %mul3A_38 : i32 to vector<16xi32>
    %mul3A_40 = arith.muli %add3A_37, %mul3A_39 : vector<16xi32>
    %add3A_41 = arith.constant 80 : i32
    %add3A_42 = arith.addi %mul3A_2, %add3A_41 : i32
    %add3A_43 = vector.broadcast %add3A_42 : i32 to vector<16xi32>
    %add3A_44 = arith.addi %add3A_43, %iota3A : vector<16xi32>
    %mul3A_45 = arith.constant 8192 : i32
    %mul3A_46 = vector.broadcast %mul3A_45 : i32 to vector<16xi32>
    %mul3A_47 = arith.muli %add3A_44, %mul3A_46 : vector<16xi32>
    %add3A_48 = arith.constant 96 : i32
    %add3A_49 = arith.addi %mul3A_2, %add3A_48 : i32
    %add3A_50 = vector.broadcast %add3A_49 : i32 to vector<16xi32>
    %add3A_51 = arith.addi %add3A_50, %iota3A : vector<16xi32>
    %mul3A_52 = arith.constant 8192 : i32
    %mul3A_53 = vector.broadcast %mul3A_52 : i32 to vector<16xi32>
    %mul3A_54 = arith.muli %add3A_51, %mul3A_53 : vector<16xi32>
    %add3A_55 = arith.constant 112 : i32
    %add3A_56 = arith.addi %mul3A_2, %add3A_55 : i32
    %add3A_57 = vector.broadcast %add3A_56 : i32 to vector<16xi32>
    %add3A_58 = arith.addi %add3A_57, %iota3A : vector<16xi32>
    %mul3A_59 = arith.constant 8192 : i32
    %mul3A_60 = vector.broadcast %mul3A_59 : i32 to vector<16xi32>
    %mul3A_61 = arith.muli %add3A_58, %mul3A_60 : vector<16xi32>
    %dma_wait3A = arith.constant 0 : i32
    %dma_wait3A_62 = tpu.memref_slice %arg5[%dma_wait3A] : memref<80xi32, #tpu.memory_space<vmem>> -> memref<64xi32, #tpu.memory_space<vmem>>
    %dma_wait3A_63 = arith.constant 0 : i32
    %dma_wait3A_64 = tpu.memref_slice %arg5[%dma_wait3A_63] : memref<80xi32, #tpu.memory_space<vmem>> -> memref<64xi32, #tpu.memory_space<vmem>>
    tpu.wait_dma2 semaphore(%arg9 : memref<!tpu.dma_semaphore, #tpu.memory_space<semaphore_mem>>) src(%arg3 : memref<64xi32, #tpu.memory_space<hbm>>) dst(%dma_wait3A_64 : memref<64xi32, #tpu.memory_space<vmem>>)
    %scan3A = arith.constant 0 : i32
    %scan3A_65 = arith.constant 0 : i32
    %scan3A_66 = arith.constant 32 : i32
    %scan3A_67 = arith.addi %scan3A_65, %scan3A_66 : i32
    %scan3A_68 = arith.constant 2 : i32
    scf.for %scan3A_234 = %scan3A_65 to %scan3A_67 step %scan3A_68  : i32 {
      %add3A_235 = arith.constant 0 : i32
      %add3A_236 = arith.addi %add3A_235, %scan3A_234 : i32
      %get3A = arith.index_cast %add3A_236 : i32 to index
      %get3A_237 = tpu.vector_load %arg5[%get3A] {strides = array<i32>} : memref<80xi32, #tpu.memory_space<vmem>>, vector<16xi32>,
      %get3A_238 = vector.shape_cast %get3A_237 : vector<16xi32> to vector<16xi32>
      %slice3A = vector.extract_strided_slice %get3A_238 {offsets = [0], sizes = [1], strides = [1]} : vector<16xi32> to vector<1xi32>
      %squeeze3A = vector.extract %slice3A[0] : i32 from vector<1xi32>
      %add3A_239 = vector.broadcast %squeeze3A : i32 to vector<16xi32>
      %add3A_240 = arith.addi %mul3A_12, %add3A_239 : vector<16xi32>
      %mul3A_241 = arith.constant 64 : i32
      %mul3A_242 = arith.muli %scan3A_234, %mul3A_241 : i32
      %add3A_243 = arith.constant 0 : i32
      %add3A_244 = arith.addi %add3A_243, %mul3A_242 : i32
      %add3A_245 = arith.constant 0 : i32
      %add3A_246 = arith.addi %add3A_244, %add3A_245 : i32
      %swap3A_247 = arith.index_cast %add3A_246 : i32 to index
      %swap3A_248 = tpu.vector_load %arg6[%swap3A_247] {strides = array<i32>} : memref<8192xi32, #tpu.memory_space<vmem>>, vector<16xi32>,
      %swap3A_249 = vector.shape_cast %swap3A_248 : vector<16xi32> to vector<16xi32>
      %swap3A_250 = vector.shape_cast %add3A_240 : vector<16xi32> to vector<16xi32>
      tpu.vector_store %arg6[%swap3A_247], %swap3A_250 {strides = array<i32>} : memref<8192xi32, #tpu.memory_space<vmem>>, vector<16xi32>,
      %add3A_251 = vector.broadcast %squeeze3A : i32 to vector<16xi32>
      %add3A_252 = arith.addi %mul3A_19, %add3A_251 : vector<16xi32>
      %mul3A_253 = arith.constant 64 : i32
      %mul3A_254 = arith.muli %scan3A_234, %mul3A_253 : i32
      %add3A_255 = arith.constant 0 : i32
      %add3A_256 = arith.addi %add3A_255, %mul3A_254 : i32
      %add3A_257 = arith.constant 16 : i32
      %add3A_258 = arith.addi %add3A_256, %add3A_257 : i32
      %swap3A_259 = arith.index_cast %add3A_258 : i32 to index
      %swap3A_260 = tpu.vector_load %arg6[%swap3A_259] {strides = array<i32>} : memref<8192xi32, #tpu.memory_space<vmem>>, vector<16xi32>,
      %swap3A_261 = vector.shape_cast %swap3A_260 : vector<16xi32> to vector<16xi32>
      %swap3A_262 = vector.shape_cast %add3A_252 : vector<16xi32> to vector<16xi32>
      tpu.vector_store %arg6[%swap3A_259], %swap3A_262 {strides = array<i32>} : memref<8192xi32, #tpu.memory_space<vmem>>, vector<16xi32>,
      %add3A_263 = vector.broadcast %squeeze3A : i32 to vector<16xi32>
      %add3A_264 = arith.addi %mul3A_26, %add3A_263 : vector<16xi32>
      %mul3A_265 = arith.constant 64 : i32
      %mul3A_266 = arith.muli %scan3A_234, %mul3A_265 : i32
      %add3A_267 = arith.constant 0 : i32
      %add3A_268 = arith.addi %add3A_267, %mul3A_266 : i32
      %add3A_269 = arith.constant 32 : i32
      %add3A_270 = arith.addi %add3A_268, %add3A_269 : i32
      %swap3A_271 = arith.index_cast %add3A_270 : i32 to index
      %swap3A_272 = tpu.vector_load %arg6[%swap3A_271] {strides = array<i32>} : memref<8192xi32, #tpu.memory_space<vmem>>, vector<16xi32>,
      %swap3A_273 = vector.shape_cast %swap3A_272 : vector<16xi32> to vector<16xi32>
      %swap3A_274 = vector.shape_cast %add3A_264 : vector<16xi32> to vector<16xi32>
      tpu.vector_store %arg6[%swap3A_271], %swap3A_274 {strides = array<i32>} : memref<8192xi32, #tpu.memory_space<vmem>>, vector<16xi32>,
      %add3A_275 = vector.broadcast %squeeze3A : i32 to vector<16xi32>
      %add3A_276 = arith.addi %mul3A_33, %add3A_275 : vector<16xi32>
      %mul3A_277 = arith.constant 64 : i32
      %mul3A_278 = arith.muli %scan3A_234, %mul3A_277 : i32
      %add3A_279 = arith.constant 0 : i32
      %add3A_280 = arith.addi %add3A_279, %mul3A_278 : i32
      %add3A_281 = arith.constant 48 : i32
      %add3A_282 = arith.addi %add3A_280, %add3A_281 : i32
      %swap3A_283 = arith.index_cast %add3A_282 : i32 to index
      %swap3A_284 = tpu.vector_load %arg6[%swap3A_283] {strides = array<i32>} : memref<8192xi32, #tpu.memory_space<vmem>>, vector<16xi32>,
      %swap3A_285 = vector.shape_cast %swap3A_284 : vector<16xi32> to vector<16xi32>
      %swap3A_286 = vector.shape_cast %add3A_276 : vector<16xi32> to vector<16xi32>
      tpu.vector_store %arg6[%swap3A_283], %swap3A_286 {strides = array<i32>} : memref<8192xi32, #tpu.memory_space<vmem>>, vector<16xi32>,
      %scan3A_287 = arith.constant 1 : i32
      %scan3A_288 = arith.addi %scan3A_234, %scan3A_287 : i32
      %add3A_289 = arith.constant 0 : i32
      %add3A_290 = arith.addi %add3A_289, %scan3A_288 : i32
      %get3A_291 = arith.index_cast %add3A_290 : i32 to index
      %get3A_292 = tpu.vector_load %arg5[%get3A_291] {strides = array<i32>} : memref<80xi32, #tpu.memory_space<vmem>>, vector<16xi32>,
      %get3A_293 = vector.shape_cast %get3A_292 : vector<16xi32> to vector<16xi32>
      %slice3A_294 = vector.extract_strided_slice %get3A_293 {offsets = [0], sizes = [1], strides = [1]} : vector<16xi32> to vector<1xi32>
      %squeeze3A_295 = vector.extract %slice3A_294[0] : i32 from vector<1xi32>
      %add3A_296 = vector.broadcast %squeeze3A_295 : i32 to vector<16xi32>
      %add3A_297 = arith.addi %mul3A_12, %add3A_296 : vector<16xi32>
      %mul3A_298 = arith.constant 64 : i32
      %mul3A_299 = arith.muli %scan3A_288, %mul3A_298 : i32
      %add3A_300 = arith.constant 0 : i32
      %add3A_301 = arith.addi %add3A_300, %mul3A_299 : i32
      %add3A_302 = arith.constant 0 : i32
      %add3A_303 = arith.addi %add3A_301, %add3A_302 : i32
      %swap3A_304 = arith.index_cast %add3A_303 : i32 to index
      %swap3A_305 = tpu.vector_load %arg6[%swap3A_304] {strides = array<i32>} : memref<8192xi32, #tpu.memory_space<vmem>>, vector<16xi32>,
      %swap3A_306 = vector.shape_cast %swap3A_305 : vector<16xi32> to vector<16xi32>
      %swap3A_307 = vector.shape_cast %add3A_297 : vector<16xi32> to vector<16xi32>
      tpu.vector_store %arg6[%swap3A_304], %swap3A_307 {strides = array<i32>} : memref<8192xi32, #tpu.memory_space<vmem>>, vector<16xi32>,
      %add3A_308 = vector.broadcast %squeeze3A_295 : i32 to vector<16xi32>
      %add3A_309 = arith.addi %mul3A_19, %add3A_308 : vector<16xi32>
      %mul3A_310 = arith.constant 64 : i32
      %mul3A_311 = arith.muli %scan3A_288, %mul3A_310 : i32
      %add3A_312 = arith.constant 0 : i32
      %add3A_313 = arith.addi %add3A_312, %mul3A_311 : i32
      %add3A_314 = arith.constant 16 : i32
      %add3A_315 = arith.addi %add3A_313, %add3A_314 : i32
      %swap3A_316 = arith.index_cast %add3A_315 : i32 to index
      %swap3A_317 = tpu.vector_load %arg6[%swap3A_316] {strides = array<i32>} : memref<8192xi32, #tpu.memory_space<vmem>>, vector<16xi32>,
      %swap3A_318 = vector.shape_cast %swap3A_317 : vector<16xi32> to vector<16xi32>
      %swap3A_319 = vector.shape_cast %add3A_309 : vector<16xi32> to vector<16xi32>
      tpu.vector_store %arg6[%swap3A_316], %swap3A_319 {strides = array<i32>} : memref<8192xi32, #tpu.memory_space<vmem>>, vector<16xi32>,
      %add3A_320 = vector.broadcast %squeeze3A_295 : i32 to vector<16xi32>
      %add3A_321 = arith.addi %mul3A_26, %add3A_320 : vector<16xi32>
      %mul3A_322 = arith.constant 64 : i32
      %mul3A_323 = arith.muli %scan3A_288, %mul3A_322 : i32
      %add3A_324 = arith.constant 0 : i32
      %add3A_325 = arith.addi %add3A_324, %mul3A_323 : i32
      %add3A_326 = arith.constant 32 : i32
      %add3A_327 = arith.addi %add3A_325, %add3A_326 : i32
      %swap3A_328 = arith.index_cast %add3A_327 : i32 to index
      %swap3A_329 = tpu.vector_load %arg6[%swap3A_328] {strides = array<i32>} : memref<8192xi32, #tpu.memory_space<vmem>>, vector<16xi32>,
      %swap3A_330 = vector.shape_cast %swap3A_329 : vector<16xi32> to vector<16xi32>
      %swap3A_331 = vector.shape_cast %add3A_321 : vector<16xi32> to vector<16xi32>
      tpu.vector_store %arg6[%swap3A_328], %swap3A_331 {strides = array<i32>} : memref<8192xi32, #tpu.memory_space<vmem>>, vector<16xi32>,
      %add3A_332 = vector.broadcast %squeeze3A_295 : i32 to vector<16xi32>
      %add3A_333 = arith.addi %mul3A_33, %add3A_332 : vector<16xi32>
      %mul3A_334 = arith.constant 64 : i32
      %mul3A_335 = arith.muli %scan3A_288, %mul3A_334 : i32
      %add3A_336 = arith.constant 0 : i32
      %add3A_337 = arith.addi %add3A_336, %mul3A_335 : i32
      %add3A_338 = arith.constant 48 : i32
      %add3A_339 = arith.addi %add3A_337, %add3A_338 : i32
      %swap3A_340 = arith.index_cast %add3A_339 : i32 to index
      %swap3A_341 = tpu.vector_load %arg6[%swap3A_340] {strides = array<i32>} : memref<8192xi32, #tpu.memory_space<vmem>>, vector<16xi32>,
      %swap3A_342 = vector.shape_cast %swap3A_341 : vector<16xi32> to vector<16xi32>
      %swap3A_343 = vector.shape_cast %add3A_333 : vector<16xi32> to vector<16xi32>
      tpu.vector_store %arg6[%swap3A_340], %swap3A_343 {strides = array<i32>} : memref<8192xi32, #tpu.memory_space<vmem>>, vector<16xi32>,
    }
    %scan3A_69 = arith.constant 32 : i32
    %dma_start3A_70 = arith.constant 0 : i32
    %dma_start3A_71 = tpu.memref_slice %arg7[%dma_start3A_70] : memref<8192xf32, #tpu.memory_space<vmem>> -> memref<2048xf32, #tpu.memory_space<vmem>>
    %dma_start3A_72 = arith.constant 0 : i32
    %dma_start3A_73 = tpu.memref_slice %arg6[%dma_start3A_72] : memref<8192xi32, #tpu.memory_space<vmem>> -> memref<2048xi32, #tpu.memory_space<vmem>>
    %dma_start3A_74 = arith.constant 0 : i32
    %dma_start3A_75 = tpu.memref_slice %arg2[%dma_start3A_74] : memref<33554432xf32, #tpu.memory_space<hbm>> -> memref<33554432xf32, #tpu.memory_space<hbm>>
    tpu.enqueue_indirect_dma source(%dma_start3A_75 : memref<33554432xf32, #tpu.memory_space<hbm>>) target(%dma_start3A_71 : memref<2048xf32, #tpu.memory_space<vmem>>) offsets(%dma_start3A_73 : memref<2048xi32, #tpu.memory_space<vmem>>) semaphore(%arg10 : memref<!tpu.dma_semaphore, #tpu.memory_space<semaphore_mem>>)
    %scan3A_76 = arith.constant 0 : i32
    %scan3A_77 = arith.constant 0 : i32
    %scan3A_78 = arith.constant 32 : i32
    %scan3A_79 = arith.addi %scan3A_77, %scan3A_78 : i32
    %scan3A_80 = arith.constant 2 : i32
    scf.for %scan3A_234 = %scan3A_77 to %scan3A_79 step %scan3A_80  : i32 {
      %add3A_235 = arith.constant 32 : i32
      %add3A_236 = arith.addi %add3A_235, %scan3A_234 : i32
      %get3A = arith.index_cast %add3A_236 : i32 to index
      %get3A_237 = tpu.vector_load %arg5[%get3A] {strides = array<i32>} : memref<80xi32, #tpu.memory_space<vmem>>, vector<16xi32>,
      %get3A_238 = vector.shape_cast %get3A_237 : vector<16xi32> to vector<16xi32>
      %slice3A = vector.extract_strided_slice %get3A_238 {offsets = [0], sizes = [1], strides = [1]} : vector<16xi32> to vector<1xi32>
      %squeeze3A = vector.extract %slice3A[0] : i32 from vector<1xi32>
      %add3A_239 = vector.broadcast %squeeze3A : i32 to vector<16xi32>
      %add3A_240 = arith.addi %mul3A_12, %add3A_239 : vector<16xi32>
      %mul3A_241 = arith.constant 64 : i32
      %mul3A_242 = arith.muli %scan3A_234, %mul3A_241 : i32
      %add3A_243 = arith.constant 2048 : i32
      %add3A_244 = arith.addi %add3A_243, %mul3A_242 : i32
      %add3A_245 = arith.constant 0 : i32
      %add3A_246 = arith.addi %add3A_244, %add3A_245 : i32
      %swap3A_247 = arith.index_cast %add3A_246 : i32 to index
      %swap3A_248 = tpu.vector_load %arg6[%swap3A_247] {strides = array<i32>} : memref<8192xi32, #tpu.memory_space<vmem>>, vector<16xi32>,
      %swap3A_249 = vector.shape_cast %swap3A_248 : vector<16xi32> to vector<16xi32>
      %swap3A_250 = vector.shape_cast %add3A_240 : vector<16xi32> to vector<16xi32>
      tpu.vector_store %arg6[%swap3A_247], %swap3A_250 {strides = array<i32>} : memref<8192xi32, #tpu.memory_space<vmem>>, vector<16xi32>,
      %add3A_251 = vector.broadcast %squeeze3A : i32 to vector<16xi32>
      %add3A_252 = arith.addi %mul3A_19, %add3A_251 : vector<16xi32>
      %mul3A_253 = arith.constant 64 : i32
      %mul3A_254 = arith.muli %scan3A_234, %mul3A_253 : i32
      %add3A_255 = arith.constant 2048 : i32
      %add3A_256 = arith.addi %add3A_255, %mul3A_254 : i32
      %add3A_257 = arith.constant 16 : i32
      %add3A_258 = arith.addi %add3A_256, %add3A_257 : i32
      %swap3A_259 = arith.index_cast %add3A_258 : i32 to index
      %swap3A_260 = tpu.vector_load %arg6[%swap3A_259] {strides = array<i32>} : memref<8192xi32, #tpu.memory_space<vmem>>, vector<16xi32>,
      %swap3A_261 = vector.shape_cast %swap3A_260 : vector<16xi32> to vector<16xi32>
      %swap3A_262 = vector.shape_cast %add3A_252 : vector<16xi32> to vector<16xi32>
      tpu.vector_store %arg6[%swap3A_259], %swap3A_262 {strides = array<i32>} : memref<8192xi32, #tpu.memory_space<vmem>>, vector<16xi32>,
      %add3A_263 = vector.broadcast %squeeze3A : i32 to vector<16xi32>
      %add3A_264 = arith.addi %mul3A_26, %add3A_263 : vector<16xi32>
      %mul3A_265 = arith.constant 64 : i32
      %mul3A_266 = arith.muli %scan3A_234, %mul3A_265 : i32
      %add3A_267 = arith.constant 2048 : i32
      %add3A_268 = arith.addi %add3A_267, %mul3A_266 : i32
      %add3A_269 = arith.constant 32 : i32
      %add3A_270 = arith.addi %add3A_268, %add3A_269 : i32
      %swap3A_271 = arith.index_cast %add3A_270 : i32 to index
      %swap3A_272 = tpu.vector_load %arg6[%swap3A_271] {strides = array<i32>} : memref<8192xi32, #tpu.memory_space<vmem>>, vector<16xi32>,
      %swap3A_273 = vector.shape_cast %swap3A_272 : vector<16xi32> to vector<16xi32>
      %swap3A_274 = vector.shape_cast %add3A_264 : vector<16xi32> to vector<16xi32>
      tpu.vector_store %arg6[%swap3A_271], %swap3A_274 {strides = array<i32>} : memref<8192xi32, #tpu.memory_space<vmem>>, vector<16xi32>,
      %add3A_275 = vector.broadcast %squeeze3A : i32 to vector<16xi32>
      %add3A_276 = arith.addi %mul3A_33, %add3A_275 : vector<16xi32>
      %mul3A_277 = arith.constant 64 : i32
      %mul3A_278 = arith.muli %scan3A_234, %mul3A_277 : i32
      %add3A_279 = arith.constant 2048 : i32
      %add3A_280 = arith.addi %add3A_279, %mul3A_278 : i32
      %add3A_281 = arith.constant 48 : i32
      %add3A_282 = arith.addi %add3A_280, %add3A_281 : i32
      %swap3A_283 = arith.index_cast %add3A_282 : i32 to index
      %swap3A_284 = tpu.vector_load %arg6[%swap3A_283] {strides = array<i32>} : memref<8192xi32, #tpu.memory_space<vmem>>, vector<16xi32>,
      %swap3A_285 = vector.shape_cast %swap3A_284 : vector<16xi32> to vector<16xi32>
      %swap3A_286 = vector.shape_cast %add3A_276 : vector<16xi32> to vector<16xi32>
      tpu.vector_store %arg6[%swap3A_283], %swap3A_286 {strides = array<i32>} : memref<8192xi32, #tpu.memory_space<vmem>>, vector<16xi32>,
      %scan3A_287 = arith.constant 1 : i32
      %scan3A_288 = arith.addi %scan3A_234, %scan3A_287 : i32
      %add3A_289 = arith.constant 32 : i32
      %add3A_290 = arith.addi %add3A_289, %scan3A_288 : i32
      %get3A_291 = arith.index_cast %add3A_290 : i32 to index
      %get3A_292 = tpu.vector_load %arg5[%get3A_291] {strides = array<i32>} : memref<80xi32, #tpu.memory_space<vmem>>, vector<16xi32>,
      %get3A_293 = vector.shape_cast %get3A_292 : vector<16xi32> to vector<16xi32>
      %slice3A_294 = vector.extract_strided_slice %get3A_293 {offsets = [0], sizes = [1], strides = [1]} : vector<16xi32> to vector<1xi32>
      %squeeze3A_295 = vector.extract %slice3A_294[0] : i32 from vector<1xi32>
      %add3A_296 = vector.broadcast %squeeze3A_295 : i32 to vector<16xi32>
      %add3A_297 = arith.addi %mul3A_12, %add3A_296 : vector<16xi32>
      %mul3A_298 = arith.constant 64 : i32
      %mul3A_299 = arith.muli %scan3A_288, %mul3A_298 : i32
      %add3A_300 = arith.constant 2048 : i32
      %add3A_301 = arith.addi %add3A_300, %mul3A_299 : i32
      %add3A_302 = arith.constant 0 : i32
      %add3A_303 = arith.addi %add3A_301, %add3A_302 : i32
      %swap3A_304 = arith.index_cast %add3A_303 : i32 to index
      %swap3A_305 = tpu.vector_load %arg6[%swap3A_304] {strides = array<i32>} : memref<8192xi32, #tpu.memory_space<vmem>>, vector<16xi32>,
      %swap3A_306 = vector.shape_cast %swap3A_305 : vector<16xi32> to vector<16xi32>
      %swap3A_307 = vector.shape_cast %add3A_297 : vector<16xi32> to vector<16xi32>
      tpu.vector_store %arg6[%swap3A_304], %swap3A_307 {strides = array<i32>} : memref<8192xi32, #tpu.memory_space<vmem>>, vector<16xi32>,
      %add3A_308 = vector.broadcast %squeeze3A_295 : i32 to vector<16xi32>
      %add3A_309 = arith.addi %mul3A_19, %add3A_308 : vector<16xi32>
      %mul3A_310 = arith.constant 64 : i32
      %mul3A_311 = arith.muli %scan3A_288, %mul3A_310 : i32
      %add3A_312 = arith.constant 2048 : i32
      %add3A_313 = arith.addi %add3A_312, %mul3A_311 : i32
      %add3A_314 = arith.constant 16 : i32
      %add3A_315 = arith.addi %add3A_313, %add3A_314 : i32
      %swap3A_316 = arith.index_cast %add3A_315 : i32 to index
      %swap3A_317 = tpu.vector_load %arg6[%swap3A_316] {strides = array<i32>} : memref<8192xi32, #tpu.memory_space<vmem>>, vector<16xi32>,
      %swap3A_318 = vector.shape_cast %swap3A_317 : vector<16xi32> to vector<16xi32>
      %swap3A_319 = vector.shape_cast %add3A_309 : vector<16xi32> to vector<16xi32>
      tpu.vector_store %arg6[%swap3A_316], %swap3A_319 {strides = array<i32>} : memref<8192xi32, #tpu.memory_space<vmem>>, vector<16xi32>,
      %add3A_320 = vector.broadcast %squeeze3A_295 : i32 to vector<16xi32>
      %add3A_321 = arith.addi %mul3A_26, %add3A_320 : vector<16xi32>
      %mul3A_322 = arith.constant 64 : i32
      %mul3A_323 = arith.muli %scan3A_288, %mul3A_322 : i32
      %add3A_324 = arith.constant 2048 : i32
      %add3A_325 = arith.addi %add3A_324, %mul3A_323 : i32
      %add3A_326 = arith.constant 32 : i32
      %add3A_327 = arith.addi %add3A_325, %add3A_326 : i32
      %swap3A_328 = arith.index_cast %add3A_327 : i32 to index
      %swap3A_329 = tpu.vector_load %arg6[%swap3A_328] {strides = array<i32>} : memref<8192xi32, #tpu.memory_space<vmem>>, vector<16xi32>,
      %swap3A_330 = vector.shape_cast %swap3A_329 : vector<16xi32> to vector<16xi32>
      %swap3A_331 = vector.shape_cast %add3A_321 : vector<16xi32> to vector<16xi32>
      tpu.vector_store %arg6[%swap3A_328], %swap3A_331 {strides = array<i32>} : memref<8192xi32, #tpu.memory_space<vmem>>, vector<16xi32>,
      %add3A_332 = vector.broadcast %squeeze3A_295 : i32 to vector<16xi32>
      %add3A_333 = arith.addi %mul3A_33, %add3A_332 : vector<16xi32>
      %mul3A_334 = arith.constant 64 : i32
      %mul3A_335 = arith.muli %scan3A_288, %mul3A_334 : i32
      %add3A_336 = arith.constant 2048 : i32
      %add3A_337 = arith.addi %add3A_336, %mul3A_335 : i32
      %add3A_338 = arith.constant 48 : i32
      %add3A_339 = arith.addi %add3A_337, %add3A_338 : i32
      %swap3A_340 = arith.index_cast %add3A_339 : i32 to index
      %swap3A_341 = tpu.vector_load %arg6[%swap3A_340] {strides = array<i32>} : memref<8192xi32, #tpu.memory_space<vmem>>, vector<16xi32>,
      %swap3A_342 = vector.shape_cast %swap3A_341 : vector<16xi32> to vector<16xi32>
      %swap3A_343 = vector.shape_cast %add3A_333 : vector<16xi32> to vector<16xi32>
      tpu.vector_store %arg6[%swap3A_340], %swap3A_343 {strides = array<i32>} : memref<8192xi32, #tpu.memory_space<vmem>>, vector<16xi32>,
    }
    %scan3A_81 = arith.constant 32 : i32
    %dma_start3A_82 = arith.constant 2048 : i32
    %dma_start3A_83 = tpu.memref_slice %arg7[%dma_start3A_82] : memref<8192xf32, #tpu.memory_space<vmem>> -> memref<2048xf32, #tpu.memory_space<vmem>>
    %dma_start3A_84 = arith.constant 2048 : i32
    %dma_start3A_85 = tpu.memref_slice %arg6[%dma_start3A_84] : memref<8192xi32, #tpu.memory_space<vmem>> -> memref<2048xi32, #tpu.memory_space<vmem>>
    %dma_start3A_86 = arith.constant 0 : i32
    %dma_start3A_87 = tpu.memref_slice %arg2[%dma_start3A_86] : memref<33554432xf32, #tpu.memory_space<hbm>> -> memref<33554432xf32, #tpu.memory_space<hbm>>
    tpu.enqueue_indirect_dma source(%dma_start3A_87 : memref<33554432xf32, #tpu.memory_space<hbm>>) target(%dma_start3A_83 : memref<2048xf32, #tpu.memory_space<vmem>>) offsets(%dma_start3A_85 : memref<2048xi32, #tpu.memory_space<vmem>>) semaphore(%arg11 : memref<!tpu.dma_semaphore, #tpu.memory_space<semaphore_mem>>)
    %scan3A_88 = arith.constant 0 : i32
    %scan3A_89 = arith.constant 0 : i32
    %scan3A_90 = arith.constant 32 : i32
    %scan3A_91 = arith.addi %scan3A_89, %scan3A_90 : i32
    %scan3A_92 = arith.constant 2 : i32
    scf.for %scan3A_234 = %scan3A_89 to %scan3A_91 step %scan3A_92  : i32 {
      %add3A_235 = arith.constant 0 : i32
      %add3A_236 = arith.addi %add3A_235, %scan3A_234 : i32
      %get3A = arith.index_cast %add3A_236 : i32 to index
      %get3A_237 = tpu.vector_load %arg5[%get3A] {strides = array<i32>} : memref<80xi32, #tpu.memory_space<vmem>>, vector<16xi32>,
      %get3A_238 = vector.shape_cast %get3A_237 : vector<16xi32> to vector<16xi32>
      %slice3A = vector.extract_strided_slice %get3A_238 {offsets = [0], sizes = [1], strides = [1]} : vector<16xi32> to vector<1xi32>
      %squeeze3A = vector.extract %slice3A[0] : i32 from vector<1xi32>
      %add3A_239 = vector.broadcast %squeeze3A : i32 to vector<16xi32>
      %add3A_240 = arith.addi %mul3A_40, %add3A_239 : vector<16xi32>
      %mul3A_241 = arith.constant 64 : i32
      %mul3A_242 = arith.muli %scan3A_234, %mul3A_241 : i32
      %add3A_243 = arith.constant 4096 : i32
      %add3A_244 = arith.addi %add3A_243, %mul3A_242 : i32
      %add3A_245 = arith.constant 0 : i32
      %add3A_246 = arith.addi %add3A_244, %add3A_245 : i32
      %swap3A_247 = arith.index_cast %add3A_246 : i32 to index
      %swap3A_248 = tpu.vector_load %arg6[%swap3A_247] {strides = array<i32>} : memref<8192xi32, #tpu.memory_space<vmem>>, vector<16xi32>,
      %swap3A_249 = vector.shape_cast %swap3A_248 : vector<16xi32> to vector<16xi32>
      %swap3A_250 = vector.shape_cast %add3A_240 : vector<16xi32> to vector<16xi32>
      tpu.vector_store %arg6[%swap3A_247], %swap3A_250 {strides = array<i32>} : memref<8192xi32, #tpu.memory_space<vmem>>, vector<16xi32>,
      %add3A_251 = vector.broadcast %squeeze3A : i32 to vector<16xi32>
      %add3A_252 = arith.addi %mul3A_47, %add3A_251 : vector<16xi32>
      %mul3A_253 = arith.constant 64 : i32
      %mul3A_254 = arith.muli %scan3A_234, %mul3A_253 : i32
      %add3A_255 = arith.constant 4096 : i32
      %add3A_256 = arith.addi %add3A_255, %mul3A_254 : i32
      %add3A_257 = arith.constant 16 : i32
      %add3A_258 = arith.addi %add3A_256, %add3A_257 : i32
      %swap3A_259 = arith.index_cast %add3A_258 : i32 to index
      %swap3A_260 = tpu.vector_load %arg6[%swap3A_259] {strides = array<i32>} : memref<8192xi32, #tpu.memory_space<vmem>>, vector<16xi32>,
      %swap3A_261 = vector.shape_cast %swap3A_260 : vector<16xi32> to vector<16xi32>
      %swap3A_262 = vector.shape_cast %add3A_252 : vector<16xi32> to vector<16xi32>
      tpu.vector_store %arg6[%swap3A_259], %swap3A_262 {strides = array<i32>} : memref<8192xi32, #tpu.memory_space<vmem>>, vector<16xi32>,
      %add3A_263 = vector.broadcast %squeeze3A : i32 to vector<16xi32>
      %add3A_264 = arith.addi %mul3A_54, %add3A_263 : vector<16xi32>
      %mul3A_265 = arith.constant 64 : i32
      %mul3A_266 = arith.muli %scan3A_234, %mul3A_265 : i32
      %add3A_267 = arith.constant 4096 : i32
      %add3A_268 = arith.addi %add3A_267, %mul3A_266 : i32
      %add3A_269 = arith.constant 32 : i32
      %add3A_270 = arith.addi %add3A_268, %add3A_269 : i32
      %swap3A_271 = arith.index_cast %add3A_270 : i32 to index
      %swap3A_272 = tpu.vector_load %arg6[%swap3A_271] {strides = array<i32>} : memref<8192xi32, #tpu.memory_space<vmem>>, vector<16xi32>,
      %swap3A_273 = vector.shape_cast %swap3A_272 : vector<16xi32> to vector<16xi32>
      %swap3A_274 = vector.shape_cast %add3A_264 : vector<16xi32> to vector<16xi32>
      tpu.vector_store %arg6[%swap3A_271], %swap3A_274 {strides = array<i32>} : memref<8192xi32, #tpu.memory_space<vmem>>, vector<16xi32>,
      %add3A_275 = vector.broadcast %squeeze3A : i32 to vector<16xi32>
      %add3A_276 = arith.addi %mul3A_61, %add3A_275 : vector<16xi32>
      %mul3A_277 = arith.constant 64 : i32
      %mul3A_278 = arith.muli %scan3A_234, %mul3A_277 : i32
      %add3A_279 = arith.constant 4096 : i32
      %add3A_280 = arith.addi %add3A_279, %mul3A_278 : i32
      %add3A_281 = arith.constant 48 : i32
      %add3A_282 = arith.addi %add3A_280, %add3A_281 : i32
      %swap3A_283 = arith.index_cast %add3A_282 : i32 to index
      %swap3A_284 = tpu.vector_load %arg6[%swap3A_283] {strides = array<i32>} : memref<8192xi32, #tpu.memory_space<vmem>>, vector<16xi32>,
      %swap3A_285 = vector.shape_cast %swap3A_284 : vector<16xi32> to vector<16xi32>
      %swap3A_286 = vector.shape_cast %add3A_276 : vector<16xi32> to vector<16xi32>
      tpu.vector_store %arg6[%swap3A_283], %swap3A_286 {strides = array<i32>} : memref<8192xi32, #tpu.memory_space<vmem>>, vector<16xi32>,
      %scan3A_287 = arith.constant 1 : i32
      %scan3A_288 = arith.addi %scan3A_234, %scan3A_287 : i32
      %add3A_289 = arith.constant 0 : i32
      %add3A_290 = arith.addi %add3A_289, %scan3A_288 : i32
      %get3A_291 = arith.index_cast %add3A_290 : i32 to index
      %get3A_292 = tpu.vector_load %arg5[%get3A_291] {strides = array<i32>} : memref<80xi32, #tpu.memory_space<vmem>>, vector<16xi32>,
      %get3A_293 = vector.shape_cast %get3A_292 : vector<16xi32> to vector<16xi32>
      %slice3A_294 = vector.extract_strided_slice %get3A_293 {offsets = [0], sizes = [1], strides = [1]} : vector<16xi32> to vector<1xi32>
      %squeeze3A_295 = vector.extract %slice3A_294[0] : i32 from vector<1xi32>
      %add3A_296 = vector.broadcast %squeeze3A_295 : i32 to vector<16xi32>
      %add3A_297 = arith.addi %mul3A_40, %add3A_296 : vector<16xi32>
      %mul3A_298 = arith.constant 64 : i32
      %mul3A_299 = arith.muli %scan3A_288, %mul3A_298 : i32
      %add3A_300 = arith.constant 4096 : i32
      %add3A_301 = arith.addi %add3A_300, %mul3A_299 : i32
      %add3A_302 = arith.constant 0 : i32
      %add3A_303 = arith.addi %add3A_301, %add3A_302 : i32
      %swap3A_304 = arith.index_cast %add3A_303 : i32 to index
      %swap3A_305 = tpu.vector_load %arg6[%swap3A_304] {strides = array<i32>} : memref<8192xi32, #tpu.memory_space<vmem>>, vector<16xi32>,
      %swap3A_306 = vector.shape_cast %swap3A_305 : vector<16xi32> to vector<16xi32>
      %swap3A_307 = vector.shape_cast %add3A_297 : vector<16xi32> to vector<16xi32>
      tpu.vector_store %arg6[%swap3A_304], %swap3A_307 {strides = array<i32>} : memref<8192xi32, #tpu.memory_space<vmem>>, vector<16xi32>,
      %add3A_308 = vector.broadcast %squeeze3A_295 : i32 to vector<16xi32>
      %add3A_309 = arith.addi %mul3A_47, %add3A_308 : vector<16xi32>
      %mul3A_310 = arith.constant 64 : i32
      %mul3A_311 = arith.muli %scan3A_288, %mul3A_310 : i32
      %add3A_312 = arith.constant 4096 : i32
      %add3A_313 = arith.addi %add3A_312, %mul3A_311 : i32
      %add3A_314 = arith.constant 16 : i32
      %add3A_315 = arith.addi %add3A_313, %add3A_314 : i32
      %swap3A_316 = arith.index_cast %add3A_315 : i32 to index
      %swap3A_317 = tpu.vector_load %arg6[%swap3A_316] {strides = array<i32>} : memref<8192xi32, #tpu.memory_space<vmem>>, vector<16xi32>,
      %swap3A_318 = vector.shape_cast %swap3A_317 : vector<16xi32> to vector<16xi32>
      %swap3A_319 = vector.shape_cast %add3A_309 : vector<16xi32> to vector<16xi32>
      tpu.vector_store %arg6[%swap3A_316], %swap3A_319 {strides = array<i32>} : memref<8192xi32, #tpu.memory_space<vmem>>, vector<16xi32>,
      %add3A_320 = vector.broadcast %squeeze3A_295 : i32 to vector<16xi32>
      %add3A_321 = arith.addi %mul3A_54, %add3A_320 : vector<16xi32>
      %mul3A_322 = arith.constant 64 : i32
      %mul3A_323 = arith.muli %scan3A_288, %mul3A_322 : i32
      %add3A_324 = arith.constant 4096 : i32
      %add3A_325 = arith.addi %add3A_324, %mul3A_323 : i32
      %add3A_326 = arith.constant 32 : i32
      %add3A_327 = arith.addi %add3A_325, %add3A_326 : i32
      %swap3A_328 = arith.index_cast %add3A_327 : i32 to index
      %swap3A_329 = tpu.vector_load %arg6[%swap3A_328] {strides = array<i32>} : memref<8192xi32, #tpu.memory_space<vmem>>, vector<16xi32>,
      %swap3A_330 = vector.shape_cast %swap3A_329 : vector<16xi32> to vector<16xi32>
      %swap3A_331 = vector.shape_cast %add3A_321 : vector<16xi32> to vector<16xi32>
      tpu.vector_store %arg6[%swap3A_328], %swap3A_331 {strides = array<i32>} : memref<8192xi32, #tpu.memory_space<vmem>>, vector<16xi32>,
      %add3A_332 = vector.broadcast %squeeze3A_295 : i32 to vector<16xi32>
      %add3A_333 = arith.addi %mul3A_61, %add3A_332 : vector<16xi32>
      %mul3A_334 = arith.constant 64 : i32
      %mul3A_335 = arith.muli %scan3A_288, %mul3A_334 : i32
      %add3A_336 = arith.constant 4096 : i32
      %add3A_337 = arith.addi %add3A_336, %mul3A_335 : i32
      %add3A_338 = arith.constant 48 : i32
      %add3A_339 = arith.addi %add3A_337, %add3A_338 : i32
      %swap3A_340 = arith.index_cast %add3A_339 : i32 to index
      %swap3A_341 = tpu.vector_load %arg6[%swap3A_340] {strides = array<i32>} : memref<8192xi32, #tpu.memory_space<vmem>>, vector<16xi32>,
      %swap3A_342 = vector.shape_cast %swap3A_341 : vector<16xi32> to vector<16xi32>
      %swap3A_343 = vector.shape_cast %add3A_333 : vector<16xi32> to vector<16xi32>
      tpu.vector_store %arg6[%swap3A_340], %swap3A_343 {strides = array<i32>} : memref<8192xi32, #tpu.memory_space<vmem>>, vector<16xi32>,
    }
    %scan3A_93 = arith.constant 32 : i32
    %dma_start3A_94 = arith.constant 4096 : i32
    %dma_start3A_95 = tpu.memref_slice %arg7[%dma_start3A_94] : memref<8192xf32, #tpu.memory_space<vmem>> -> memref<2048xf32, #tpu.memory_space<vmem>>
    %dma_start3A_96 = arith.constant 4096 : i32
    %dma_start3A_97 = tpu.memref_slice %arg6[%dma_start3A_96] : memref<8192xi32, #tpu.memory_space<vmem>> -> memref<2048xi32, #tpu.memory_space<vmem>>
    %dma_start3A_98 = arith.constant 0 : i32
    %dma_start3A_99 = tpu.memref_slice %arg2[%dma_start3A_98] : memref<33554432xf32, #tpu.memory_space<hbm>> -> memref<33554432xf32, #tpu.memory_space<hbm>>
    tpu.enqueue_indirect_dma source(%dma_start3A_99 : memref<33554432xf32, #tpu.memory_space<hbm>>) target(%dma_start3A_95 : memref<2048xf32, #tpu.memory_space<vmem>>) offsets(%dma_start3A_97 : memref<2048xi32, #tpu.memory_space<vmem>>) semaphore(%arg12 : memref<!tpu.dma_semaphore, #tpu.memory_space<semaphore_mem>>)
    %scan3A_100 = arith.constant 0 : i32
    %scan3A_101 = arith.constant 0 : i32
    %scan3A_102 = arith.constant 32 : i32
    %scan3A_103 = arith.addi %scan3A_101, %scan3A_102 : i32
    %scan3A_104 = arith.constant 2 : i32
    scf.for %scan3A_234 = %scan3A_101 to %scan3A_103 step %scan3A_104  : i32 {
      %add3A_235 = arith.constant 32 : i32
      %add3A_236 = arith.addi %add3A_235, %scan3A_234 : i32
      %get3A = arith.index_cast %add3A_236 : i32 to index
      %get3A_237 = tpu.vector_load %arg5[%get3A] {strides = array<i32>} : memref<80xi32, #tpu.memory_space<vmem>>, vector<16xi32>,
      %get3A_238 = vector.shape_cast %get3A_237 : vector<16xi32> to vector<16xi32>
      %slice3A = vector.extract_strided_slice %get3A_238 {offsets = [0], sizes = [1], strides = [1]} : vector<16xi32> to vector<1xi32>
      %squeeze3A = vector.extract %slice3A[0] : i32 from vector<1xi32>
      %add3A_239 = vector.broadcast %squeeze3A : i32 to vector<16xi32>
      %add3A_240 = arith.addi %mul3A_40, %add3A_239 : vector<16xi32>
      %mul3A_241 = arith.constant 64 : i32
      %mul3A_242 = arith.muli %scan3A_234, %mul3A_241 : i32
      %add3A_243 = arith.constant 6144 : i32
      %add3A_244 = arith.addi %add3A_243, %mul3A_242 : i32
      %add3A_245 = arith.constant 0 : i32
      %add3A_246 = arith.addi %add3A_244, %add3A_245 : i32
      %swap3A_247 = arith.index_cast %add3A_246 : i32 to index
      %swap3A_248 = tpu.vector_load %arg6[%swap3A_247] {strides = array<i32>} : memref<8192xi32, #tpu.memory_space<vmem>>, vector<16xi32>,
      %swap3A_249 = vector.shape_cast %swap3A_248 : vector<16xi32> to vector<16xi32>
      %swap3A_250 = vector.shape_cast %add3A_240 : vector<16xi32> to vector<16xi32>
      tpu.vector_store %arg6[%swap3A_247], %swap3A_250 {strides = array<i32>} : memref<8192xi32, #tpu.memory_space<vmem>>, vector<16xi32>,
      %add3A_251 = vector.broadcast %squeeze3A : i32 to vector<16xi32>
      %add3A_252 = arith.addi %mul3A_47, %add3A_251 : vector<16xi32>
      %mul3A_253 = arith.constant 64 : i32
      %mul3A_254 = arith.muli %scan3A_234, %mul3A_253 : i32
      %add3A_255 = arith.constant 6144 : i32
      %add3A_256 = arith.addi %add3A_255, %mul3A_254 : i32
      %add3A_257 = arith.constant 16 : i32
      %add3A_258 = arith.addi %add3A_256, %add3A_257 : i32
      %swap3A_259 = arith.index_cast %add3A_258 : i32 to index
      %swap3A_260 = tpu.vector_load %arg6[%swap3A_259] {strides = array<i32>} : memref<8192xi32, #tpu.memory_space<vmem>>, vector<16xi32>,
      %swap3A_261 = vector.shape_cast %swap3A_260 : vector<16xi32> to vector<16xi32>
      %swap3A_262 = vector.shape_cast %add3A_252 : vector<16xi32> to vector<16xi32>
      tpu.vector_store %arg6[%swap3A_259], %swap3A_262 {strides = array<i32>} : memref<8192xi32, #tpu.memory_space<vmem>>, vector<16xi32>,
      %add3A_263 = vector.broadcast %squeeze3A : i32 to vector<16xi32>
      %add3A_264 = arith.addi %mul3A_54, %add3A_263 : vector<16xi32>
      %mul3A_265 = arith.constant 64 : i32
      %mul3A_266 = arith.muli %scan3A_234, %mul3A_265 : i32
      %add3A_267 = arith.constant 6144 : i32
      %add3A_268 = arith.addi %add3A_267, %mul3A_266 : i32
      %add3A_269 = arith.constant 32 : i32
      %add3A_270 = arith.addi %add3A_268, %add3A_269 : i32
      %swap3A_271 = arith.index_cast %add3A_270 : i32 to index
      %swap3A_272 = tpu.vector_load %arg6[%swap3A_271] {strides = array<i32>} : memref<8192xi32, #tpu.memory_space<vmem>>, vector<16xi32>,
      %swap3A_273 = vector.shape_cast %swap3A_272 : vector<16xi32> to vector<16xi32>
      %swap3A_274 = vector.shape_cast %add3A_264 : vector<16xi32> to vector<16xi32>
      tpu.vector_store %arg6[%swap3A_271], %swap3A_274 {strides = array<i32>} : memref<8192xi32, #tpu.memory_space<vmem>>, vector<16xi32>,
      %add3A_275 = vector.broadcast %squeeze3A : i32 to vector<16xi32>
      %add3A_276 = arith.addi %mul3A_61, %add3A_275 : vector<16xi32>
      %mul3A_277 = arith.constant 64 : i32
      %mul3A_278 = arith.muli %scan3A_234, %mul3A_277 : i32
      %add3A_279 = arith.constant 6144 : i32
      %add3A_280 = arith.addi %add3A_279, %mul3A_278 : i32
      %add3A_281 = arith.constant 48 : i32
      %add3A_282 = arith.addi %add3A_280, %add3A_281 : i32
      %swap3A_283 = arith.index_cast %add3A_282 : i32 to index
      %swap3A_284 = tpu.vector_load %arg6[%swap3A_283] {strides = array<i32>} : memref<8192xi32, #tpu.memory_space<vmem>>, vector<16xi32>,
      %swap3A_285 = vector.shape_cast %swap3A_284 : vector<16xi32> to vector<16xi32>
      %swap3A_286 = vector.shape_cast %add3A_276 : vector<16xi32> to vector<16xi32>
      tpu.vector_store %arg6[%swap3A_283], %swap3A_286 {strides = array<i32>} : memref<8192xi32, #tpu.memory_space<vmem>>, vector<16xi32>,
      %scan3A_287 = arith.constant 1 : i32
      %scan3A_288 = arith.addi %scan3A_234, %scan3A_287 : i32
      %add3A_289 = arith.constant 32 : i32
      %add3A_290 = arith.addi %add3A_289, %scan3A_288 : i32
      %get3A_291 = arith.index_cast %add3A_290 : i32 to index
      %get3A_292 = tpu.vector_load %arg5[%get3A_291] {strides = array<i32>} : memref<80xi32, #tpu.memory_space<vmem>>, vector<16xi32>,
      %get3A_293 = vector.shape_cast %get3A_292 : vector<16xi32> to vector<16xi32>
      %slice3A_294 = vector.extract_strided_slice %get3A_293 {offsets = [0], sizes = [1], strides = [1]} : vector<16xi32> to vector<1xi32>
      %squeeze3A_295 = vector.extract %slice3A_294[0] : i32 from vector<1xi32>
      %add3A_296 = vector.broadcast %squeeze3A_295 : i32 to vector<16xi32>
      %add3A_297 = arith.addi %mul3A_40, %add3A_296 : vector<16xi32>
      %mul3A_298 = arith.constant 64 : i32
      %mul3A_299 = arith.muli %scan3A_288, %mul3A_298 : i32
      %add3A_300 = arith.constant 6144 : i32
      %add3A_301 = arith.addi %add3A_300, %mul3A_299 : i32
      %add3A_302 = arith.constant 0 : i32
      %add3A_303 = arith.addi %add3A_301, %add3A_302 : i32
      %swap3A_304 = arith.index_cast %add3A_303 : i32 to index
      %swap3A_305 = tpu.vector_load %arg6[%swap3A_304] {strides = array<i32>} : memref<8192xi32, #tpu.memory_space<vmem>>, vector<16xi32>,
      %swap3A_306 = vector.shape_cast %swap3A_305 : vector<16xi32> to vector<16xi32>
      %swap3A_307 = vector.shape_cast %add3A_297 : vector<16xi32> to vector<16xi32>
      tpu.vector_store %arg6[%swap3A_304], %swap3A_307 {strides = array<i32>} : memref<8192xi32, #tpu.memory_space<vmem>>, vector<16xi32>,
      %add3A_308 = vector.broadcast %squeeze3A_295 : i32 to vector<16xi32>
      %add3A_309 = arith.addi %mul3A_47, %add3A_308 : vector<16xi32>
      %mul3A_310 = arith.constant 64 : i32
      %mul3A_311 = arith.muli %scan3A_288, %mul3A_310 : i32
      %add3A_312 = arith.constant 6144 : i32
      %add3A_313 = arith.addi %add3A_312, %mul3A_311 : i32
      %add3A_314 = arith.constant 16 : i32
      %add3A_315 = arith.addi %add3A_313, %add3A_314 : i32
      %swap3A_316 = arith.index_cast %add3A_315 : i32 to index
      %swap3A_317 = tpu.vector_load %arg6[%swap3A_316] {strides = array<i32>} : memref<8192xi32, #tpu.memory_space<vmem>>, vector<16xi32>,
      %swap3A_318 = vector.shape_cast %swap3A_317 : vector<16xi32> to vector<16xi32>
      %swap3A_319 = vector.shape_cast %add3A_309 : vector<16xi32> to vector<16xi32>
      tpu.vector_store %arg6[%swap3A_316], %swap3A_319 {strides = array<i32>} : memref<8192xi32, #tpu.memory_space<vmem>>, vector<16xi32>,
      %add3A_320 = vector.broadcast %squeeze3A_295 : i32 to vector<16xi32>
      %add3A_321 = arith.addi %mul3A_54, %add3A_320 : vector<16xi32>
      %mul3A_322 = arith.constant 64 : i32
      %mul3A_323 = arith.muli %scan3A_288, %mul3A_322 : i32
      %add3A_324 = arith.constant 6144 : i32
      %add3A_325 = arith.addi %add3A_324, %mul3A_323 : i32
      %add3A_326 = arith.constant 32 : i32
      %add3A_327 = arith.addi %add3A_325, %add3A_326 : i32
      %swap3A_328 = arith.index_cast %add3A_327 : i32 to index
      %swap3A_329 = tpu.vector_load %arg6[%swap3A_328] {strides = array<i32>} : memref<8192xi32, #tpu.memory_space<vmem>>, vector<16xi32>,
      %swap3A_330 = vector.shape_cast %swap3A_329 : vector<16xi32> to vector<16xi32>
      %swap3A_331 = vector.shape_cast %add3A_321 : vector<16xi32> to vector<16xi32>
      tpu.vector_store %arg6[%swap3A_328], %swap3A_331 {strides = array<i32>} : memref<8192xi32, #tpu.memory_space<vmem>>, vector<16xi32>,
      %add3A_332 = vector.broadcast %squeeze3A_295 : i32 to vector<16xi32>
      %add3A_333 = arith.addi %mul3A_61, %add3A_332 : vector<16xi32>
      %mul3A_334 = arith.constant 64 : i32
      %mul3A_335 = arith.muli %scan3A_288, %mul3A_334 : i32
      %add3A_336 = arith.constant 6144 : i32
      %add3A_337 = arith.addi %add3A_336, %mul3A_335 : i32
      %add3A_338 = arith.constant 48 : i32
      %add3A_339 = arith.addi %add3A_337, %add3A_338 : i32
      %swap3A_340 = arith.index_cast %add3A_339 : i32 to index
      %swap3A_341 = tpu.vector_load %arg6[%swap3A_340] {strides = array<i32>} : memref<8192xi32, #tpu.memory_space<vmem>>, vector<16xi32>,
      %swap3A_342 = vector.shape_cast %swap3A_341 : vector<16xi32> to vector<16xi32>
      %swap3A_343 = vector.shape_cast %add3A_333 : vector<16xi32> to vector<16xi32>
      tpu.vector_store %arg6[%swap3A_340], %swap3A_343 {strides = array<i32>} : memref<8192xi32, #tpu.memory_space<vmem>>, vector<16xi32>,
    }
    %scan3A_105 = arith.constant 32 : i32
    %dma_start3A_106 = arith.constant 6144 : i32
    %dma_start3A_107 = tpu.memref_slice %arg7[%dma_start3A_106] : memref<8192xf32, #tpu.memory_space<vmem>> -> memref<2048xf32, #tpu.memory_space<vmem>>
    %dma_start3A_108 = arith.constant 6144 : i32
    %dma_start3A_109 = tpu.memref_slice %arg6[%dma_start3A_108] : memref<8192xi32, #tpu.memory_space<vmem>> -> memref<2048xi32, #tpu.memory_space<vmem>>
    %dma_start3A_110 = arith.constant 0 : i32
    %dma_start3A_111 = tpu.memref_slice %arg2[%dma_start3A_110] : memref<33554432xf32, #tpu.memory_space<hbm>> -> memref<33554432xf32, #tpu.memory_space<hbm>>
    tpu.enqueue_indirect_dma source(%dma_start3A_111 : memref<33554432xf32, #tpu.memory_space<hbm>>) target(%dma_start3A_107 : memref<2048xf32, #tpu.memory_space<vmem>>) offsets(%dma_start3A_109 : memref<2048xi32, #tpu.memory_space<vmem>>) semaphore(%arg13 : memref<!tpu.dma_semaphore, #tpu.memory_space<semaphore_mem>>)
    %broadcast_in_dim3A = arith.constant 0.000000e+00 : f32
    %broadcast_in_dim3A_112 = vector.broadcast %broadcast_in_dim3A : f32 to vector<16xf32>
    %broadcast_in_dim3A_113 = arith.constant 0.000000e+00 : f32
    %broadcast_in_dim3A_114 = vector.broadcast %broadcast_in_dim3A_113 : f32 to vector<16xf32>
    %broadcast_in_dim3A_115 = arith.constant 0.000000e+00 : f32
    %broadcast_in_dim3A_116 = vector.broadcast %broadcast_in_dim3A_115 : f32 to vector<16xf32>
    %broadcast_in_dim3A_117 = arith.constant 0.000000e+00 : f32
    %broadcast_in_dim3A_118 = vector.broadcast %broadcast_in_dim3A_117 : f32 to vector<16xf32>
    %dma_wait3A_119 = arith.constant 0 : i32
    %dma_wait3A_120 = tpu.memref_slice %arg7[%dma_wait3A_119] : memref<8192xf32, #tpu.memory_space<vmem>> -> memref<2048xf32, #tpu.memory_space<vmem>>
    %dma_wait3A_121 = arith.constant 0 : i32
    %dma_wait3A_122 = tpu.memref_slice %arg6[%dma_wait3A_121] : memref<8192xi32, #tpu.memory_space<vmem>> -> memref<2048xi32, #tpu.memory_space<vmem>>
    %dma_wait3A_123 = arith.constant 0 : i32
    %dma_wait3A_124 = tpu.memref_slice %arg2[%dma_wait3A_123] : memref<33554432xf32, #tpu.memory_space<hbm>> -> memref<33554432xf32, #tpu.memory_space<hbm>>
    tpu.wait_indirect_dma semaphore(%arg10 : memref<!tpu.dma_semaphore, #tpu.memory_space<semaphore_mem>>) src(%dma_wait3A_124 : memref<33554432xf32, #tpu.memory_space<hbm>>) dst(%dma_wait3A_120 : memref<2048xf32, #tpu.memory_space<vmem>>)
    %scan3A_125 = arith.constant 0 : i32
    %scan3A_126 = arith.constant 32 : i32
    %scan3A_127 = arith.addi %scan3A_125, %scan3A_126 : i32
    %scan3A_128 = arith.constant 2 : i32
    %scan3A_129:4 = scf.for %scan3A_234 = %scan3A_125 to %scan3A_127 step %scan3A_128 iter_args(%scan3A_235 = %broadcast_in_dim3A_112, %scan3A_236 = %broadcast_in_dim3A_114, %scan3A_237 = %broadcast_in_dim3A_116, %scan3A_238 = %broadcast_in_dim3A_118) -> (vector<16xf32>, vector<16xf32>, vector<16xf32>, vector<16xf32>)  : i32 {
      %mul3A_239 = arith.constant 64 : i32
      %mul3A_240 = arith.muli %scan3A_234, %mul3A_239 : i32
      %add3A_241 = arith.constant 0 : i32
      %add3A_242 = arith.addi %add3A_241, %mul3A_240 : i32
      %add3A_243 = arith.constant 0 : i32
      %add3A_244 = arith.addi %add3A_242, %add3A_243 : i32
      %get3A = arith.index_cast %add3A_244 : i32 to index
      %get3A_245 = tpu.vector_load %arg7[%get3A] {strides = array<i32>} : memref<8192xf32, #tpu.memory_space<vmem>>, vector<16xf32>,
      %get3A_246 = vector.shape_cast %get3A_245 : vector<16xf32> to vector<16xf32>
      %mul3A_247 = arith.mulf %get3A_246, %get3A_246 : vector<16xf32>
      %add3A_248 = arith.addf %scan3A_235, %mul3A_247 : vector<16xf32>
      %mul3A_249 = arith.constant 64 : i32
      %mul3A_250 = arith.muli %scan3A_234, %mul3A_249 : i32
      %add3A_251 = arith.constant 0 : i32
      %add3A_252 = arith.addi %add3A_251, %mul3A_250 : i32
      %add3A_253 = arith.constant 16 : i32
      %add3A_254 = arith.addi %add3A_252, %add3A_253 : i32
      %get3A_255 = arith.index_cast %add3A_254 : i32 to index
      %get3A_256 = tpu.vector_load %arg7[%get3A_255] {strides = array<i32>} : memref<8192xf32, #tpu.memory_space<vmem>>, vector<16xf32>,
      %get3A_257 = vector.shape_cast %get3A_256 : vector<16xf32> to vector<16xf32>
      %mul3A_258 = arith.mulf %get3A_257, %get3A_257 : vector<16xf32>
      %add3A_259 = arith.addf %scan3A_236, %mul3A_258 : vector<16xf32>
      %mul3A_260 = arith.constant 64 : i32
      %mul3A_261 = arith.muli %scan3A_234, %mul3A_260 : i32
      %add3A_262 = arith.constant 0 : i32
      %add3A_263 = arith.addi %add3A_262, %mul3A_261 : i32
      %add3A_264 = arith.constant 32 : i32
      %add3A_265 = arith.addi %add3A_263, %add3A_264 : i32
      %get3A_266 = arith.index_cast %add3A_265 : i32 to index
      %get3A_267 = tpu.vector_load %arg7[%get3A_266] {strides = array<i32>} : memref<8192xf32, #tpu.memory_space<vmem>>, vector<16xf32>,
      %get3A_268 = vector.shape_cast %get3A_267 : vector<16xf32> to vector<16xf32>
      %mul3A_269 = arith.mulf %get3A_268, %get3A_268 : vector<16xf32>
      %add3A_270 = arith.addf %scan3A_237, %mul3A_269 : vector<16xf32>
      %mul3A_271 = arith.constant 64 : i32
      %mul3A_272 = arith.muli %scan3A_234, %mul3A_271 : i32
      %add3A_273 = arith.constant 0 : i32
      %add3A_274 = arith.addi %add3A_273, %mul3A_272 : i32
      %add3A_275 = arith.constant 48 : i32
      %add3A_276 = arith.addi %add3A_274, %add3A_275 : i32
      %get3A_277 = arith.index_cast %add3A_276 : i32 to index
      %get3A_278 = tpu.vector_load %arg7[%get3A_277] {strides = array<i32>} : memref<8192xf32, #tpu.memory_space<vmem>>, vector<16xf32>,
      %get3A_279 = vector.shape_cast %get3A_278 : vector<16xf32> to vector<16xf32>
      %mul3A_280 = arith.mulf %get3A_279, %get3A_279 : vector<16xf32>
      %add3A_281 = arith.addf %scan3A_238, %mul3A_280 : vector<16xf32>
      %scan3A_282 = arith.constant 1 : i32
      %scan3A_283 = arith.addi %scan3A_234, %scan3A_282 : i32
      %mul3A_284 = arith.constant 64 : i32
      %mul3A_285 = arith.muli %scan3A_283, %mul3A_284 : i32
      %add3A_286 = arith.constant 0 : i32
      %add3A_287 = arith.addi %add3A_286, %mul3A_285 : i32
      %add3A_288 = arith.constant 0 : i32
      %add3A_289 = arith.addi %add3A_287, %add3A_288 : i32
      %get3A_290 = arith.index_cast %add3A_289 : i32 to index
      %get3A_291 = tpu.vector_load %arg7[%get3A_290] {strides = array<i32>} : memref<8192xf32, #tpu.memory_space<vmem>>, vector<16xf32>,
      %get3A_292 = vector.shape_cast %get3A_291 : vector<16xf32> to vector<16xf32>
      %mul3A_293 = arith.mulf %get3A_292, %get3A_292 : vector<16xf32>
      %add3A_294 = arith.addf %add3A_248, %mul3A_293 : vector<16xf32>
      %mul3A_295 = arith.constant 64 : i32
      %mul3A_296 = arith.muli %scan3A_283, %mul3A_295 : i32
      %add3A_297 = arith.constant 0 : i32
      %add3A_298 = arith.addi %add3A_297, %mul3A_296 : i32
      %add3A_299 = arith.constant 16 : i32
      %add3A_300 = arith.addi %add3A_298, %add3A_299 : i32
      %get3A_301 = arith.index_cast %add3A_300 : i32 to index
      %get3A_302 = tpu.vector_load %arg7[%get3A_301] {strides = array<i32>} : memref<8192xf32, #tpu.memory_space<vmem>>, vector<16xf32>,
      %get3A_303 = vector.shape_cast %get3A_302 : vector<16xf32> to vector<16xf32>
      %mul3A_304 = arith.mulf %get3A_303, %get3A_303 : vector<16xf32>
      %add3A_305 = arith.addf %add3A_259, %mul3A_304 : vector<16xf32>
      %mul3A_306 = arith.constant 64 : i32
      %mul3A_307 = arith.muli %scan3A_283, %mul3A_306 : i32
      %add3A_308 = arith.constant 0 : i32
      %add3A_309 = arith.addi %add3A_308, %mul3A_307 : i32
      %add3A_310 = arith.constant 32 : i32
      %add3A_311 = arith.addi %add3A_309, %add3A_310 : i32
      %get3A_312 = arith.index_cast %add3A_311 : i32 to index
      %get3A_313 = tpu.vector_load %arg7[%get3A_312] {strides = array<i32>} : memref<8192xf32, #tpu.memory_space<vmem>>, vector<16xf32>,
      %get3A_314 = vector.shape_cast %get3A_313 : vector<16xf32> to vector<16xf32>
      %mul3A_315 = arith.mulf %get3A_314, %get3A_314 : vector<16xf32>
      %add3A_316 = arith.addf %add3A_270, %mul3A_315 : vector<16xf32>
      %mul3A_317 = arith.constant 64 : i32
      %mul3A_318 = arith.muli %scan3A_283, %mul3A_317 : i32
      %add3A_319 = arith.constant 0 : i32
      %add3A_320 = arith.addi %add3A_319, %mul3A_318 : i32
      %add3A_321 = arith.constant 48 : i32
      %add3A_322 = arith.addi %add3A_320, %add3A_321 : i32
      %get3A_323 = arith.index_cast %add3A_322 : i32 to index
      %get3A_324 = tpu.vector_load %arg7[%get3A_323] {strides = array<i32>} : memref<8192xf32, #tpu.memory_space<vmem>>, vector<16xf32>,
      %get3A_325 = vector.shape_cast %get3A_324 : vector<16xf32> to vector<16xf32>
      %mul3A_326 = arith.mulf %get3A_325, %get3A_325 : vector<16xf32>
      %add3A_327 = arith.addf %add3A_281, %mul3A_326 : vector<16xf32>
      scf.yield %add3A_294, %add3A_305, %add3A_316, %add3A_327 : vector<16xf32>, vector<16xf32>, vector<16xf32>, vector<16xf32>
    }
    %scan3A_130 = arith.constant 32 : i32
    %dma_wait3A_131 = arith.constant 2048 : i32
    %dma_wait3A_132 = tpu.memref_slice %arg7[%dma_wait3A_131] : memref<8192xf32, #tpu.memory_space<vmem>> -> memref<2048xf32, #tpu.memory_space<vmem>>
    %dma_wait3A_133 = arith.constant 2048 : i32
    %dma_wait3A_134 = tpu.memref_slice %arg6[%dma_wait3A_133] : memref<8192xi32, #tpu.memory_space<vmem>> -> memref<2048xi32, #tpu.memory_space<vmem>>
    %dma_wait3A_135 = arith.constant 0 : i32
    %dma_wait3A_136 = tpu.memref_slice %arg2[%dma_wait3A_135] : memref<33554432xf32, #tpu.memory_space<hbm>> -> memref<33554432xf32, #tpu.memory_space<hbm>>
    tpu.wait_indirect_dma semaphore(%arg11 : memref<!tpu.dma_semaphore, #tpu.memory_space<semaphore_mem>>) src(%dma_wait3A_136 : memref<33554432xf32, #tpu.memory_space<hbm>>) dst(%dma_wait3A_132 : memref<2048xf32, #tpu.memory_space<vmem>>)
    %scan3A_137 = arith.constant 0 : i32
    %scan3A_138 = arith.constant 32 : i32
    %scan3A_139 = arith.addi %scan3A_137, %scan3A_138 : i32
    %scan3A_140 = arith.constant 2 : i32
    %scan3A_141:4 = scf.for %scan3A_234 = %scan3A_137 to %scan3A_139 step %scan3A_140 iter_args(%scan3A_235 = %scan3A_129#0, %scan3A_236 = %scan3A_129#1, %scan3A_237 = %scan3A_129#2, %scan3A_238 = %scan3A_129#3) -> (vector<16xf32>, vector<16xf32>, vector<16xf32>, vector<16xf32>)  : i32 {
      %mul3A_239 = arith.constant 64 : i32
      %mul3A_240 = arith.muli %scan3A_234, %mul3A_239 : i32
      %add3A_241 = arith.constant 2048 : i32
      %add3A_242 = arith.addi %add3A_241, %mul3A_240 : i32
      %add3A_243 = arith.constant 0 : i32
      %add3A_244 = arith.addi %add3A_242, %add3A_243 : i32
      %get3A = arith.index_cast %add3A_244 : i32 to index
      %get3A_245 = tpu.vector_load %arg7[%get3A] {strides = array<i32>} : memref<8192xf32, #tpu.memory_space<vmem>>, vector<16xf32>,
      %get3A_246 = vector.shape_cast %get3A_245 : vector<16xf32> to vector<16xf32>
      %mul3A_247 = arith.mulf %get3A_246, %get3A_246 : vector<16xf32>
      %add3A_248 = arith.addf %scan3A_235, %mul3A_247 : vector<16xf32>
      %mul3A_249 = arith.constant 64 : i32
      %mul3A_250 = arith.muli %scan3A_234, %mul3A_249 : i32
      %add3A_251 = arith.constant 2048 : i32
      %add3A_252 = arith.addi %add3A_251, %mul3A_250 : i32
      %add3A_253 = arith.constant 16 : i32
      %add3A_254 = arith.addi %add3A_252, %add3A_253 : i32
      %get3A_255 = arith.index_cast %add3A_254 : i32 to index
      %get3A_256 = tpu.vector_load %arg7[%get3A_255] {strides = array<i32>} : memref<8192xf32, #tpu.memory_space<vmem>>, vector<16xf32>,
      %get3A_257 = vector.shape_cast %get3A_256 : vector<16xf32> to vector<16xf32>
      %mul3A_258 = arith.mulf %get3A_257, %get3A_257 : vector<16xf32>
      %add3A_259 = arith.addf %scan3A_236, %mul3A_258 : vector<16xf32>
      %mul3A_260 = arith.constant 64 : i32
      %mul3A_261 = arith.muli %scan3A_234, %mul3A_260 : i32
      %add3A_262 = arith.constant 2048 : i32
      %add3A_263 = arith.addi %add3A_262, %mul3A_261 : i32
      %add3A_264 = arith.constant 32 : i32
      %add3A_265 = arith.addi %add3A_263, %add3A_264 : i32
      %get3A_266 = arith.index_cast %add3A_265 : i32 to index
      %get3A_267 = tpu.vector_load %arg7[%get3A_266] {strides = array<i32>} : memref<8192xf32, #tpu.memory_space<vmem>>, vector<16xf32>,
      %get3A_268 = vector.shape_cast %get3A_267 : vector<16xf32> to vector<16xf32>
      %mul3A_269 = arith.mulf %get3A_268, %get3A_268 : vector<16xf32>
      %add3A_270 = arith.addf %scan3A_237, %mul3A_269 : vector<16xf32>
      %mul3A_271 = arith.constant 64 : i32
      %mul3A_272 = arith.muli %scan3A_234, %mul3A_271 : i32
      %add3A_273 = arith.constant 2048 : i32
      %add3A_274 = arith.addi %add3A_273, %mul3A_272 : i32
      %add3A_275 = arith.constant 48 : i32
      %add3A_276 = arith.addi %add3A_274, %add3A_275 : i32
      %get3A_277 = arith.index_cast %add3A_276 : i32 to index
      %get3A_278 = tpu.vector_load %arg7[%get3A_277] {strides = array<i32>} : memref<8192xf32, #tpu.memory_space<vmem>>, vector<16xf32>,
      %get3A_279 = vector.shape_cast %get3A_278 : vector<16xf32> to vector<16xf32>
      %mul3A_280 = arith.mulf %get3A_279, %get3A_279 : vector<16xf32>
      %add3A_281 = arith.addf %scan3A_238, %mul3A_280 : vector<16xf32>
      %scan3A_282 = arith.constant 1 : i32
      %scan3A_283 = arith.addi %scan3A_234, %scan3A_282 : i32
      %mul3A_284 = arith.constant 64 : i32
      %mul3A_285 = arith.muli %scan3A_283, %mul3A_284 : i32
      %add3A_286 = arith.constant 2048 : i32
      %add3A_287 = arith.addi %add3A_286, %mul3A_285 : i32
      %add3A_288 = arith.constant 0 : i32
      %add3A_289 = arith.addi %add3A_287, %add3A_288 : i32
      %get3A_290 = arith.index_cast %add3A_289 : i32 to index
      %get3A_291 = tpu.vector_load %arg7[%get3A_290] {strides = array<i32>} : memref<8192xf32, #tpu.memory_space<vmem>>, vector<16xf32>,
      %get3A_292 = vector.shape_cast %get3A_291 : vector<16xf32> to vector<16xf32>
      %mul3A_293 = arith.mulf %get3A_292, %get3A_292 : vector<16xf32>
      %add3A_294 = arith.addf %add3A_248, %mul3A_293 : vector<16xf32>
      %mul3A_295 = arith.constant 64 : i32
      %mul3A_296 = arith.muli %scan3A_283, %mul3A_295 : i32
      %add3A_297 = arith.constant 2048 : i32
      %add3A_298 = arith.addi %add3A_297, %mul3A_296 : i32
      %add3A_299 = arith.constant 16 : i32
      %add3A_300 = arith.addi %add3A_298, %add3A_299 : i32
      %get3A_301 = arith.index_cast %add3A_300 : i32 to index
      %get3A_302 = tpu.vector_load %arg7[%get3A_301] {strides = array<i32>} : memref<8192xf32, #tpu.memory_space<vmem>>, vector<16xf32>,
      %get3A_303 = vector.shape_cast %get3A_302 : vector<16xf32> to vector<16xf32>
      %mul3A_304 = arith.mulf %get3A_303, %get3A_303 : vector<16xf32>
      %add3A_305 = arith.addf %add3A_259, %mul3A_304 : vector<16xf32>
      %mul3A_306 = arith.constant 64 : i32
      %mul3A_307 = arith.muli %scan3A_283, %mul3A_306 : i32
      %add3A_308 = arith.constant 2048 : i32
      %add3A_309 = arith.addi %add3A_308, %mul3A_307 : i32
      %add3A_310 = arith.constant 32 : i32
      %add3A_311 = arith.addi %add3A_309, %add3A_310 : i32
      %get3A_312 = arith.index_cast %add3A_311 : i32 to index
      %get3A_313 = tpu.vector_load %arg7[%get3A_312] {strides = array<i32>} : memref<8192xf32, #tpu.memory_space<vmem>>, vector<16xf32>,
      %get3A_314 = vector.shape_cast %get3A_313 : vector<16xf32> to vector<16xf32>
      %mul3A_315 = arith.mulf %get3A_314, %get3A_314 : vector<16xf32>
      %add3A_316 = arith.addf %add3A_270, %mul3A_315 : vector<16xf32>
      %mul3A_317 = arith.constant 64 : i32
      %mul3A_318 = arith.muli %scan3A_283, %mul3A_317 : i32
      %add3A_319 = arith.constant 2048 : i32
      %add3A_320 = arith.addi %add3A_319, %mul3A_318 : i32
      %add3A_321 = arith.constant 48 : i32
      %add3A_322 = arith.addi %add3A_320, %add3A_321 : i32
      %get3A_323 = arith.index_cast %add3A_322 : i32 to index
      %get3A_324 = tpu.vector_load %arg7[%get3A_323] {strides = array<i32>} : memref<8192xf32, #tpu.memory_space<vmem>>, vector<16xf32>,
      %get3A_325 = vector.shape_cast %get3A_324 : vector<16xf32> to vector<16xf32>
      %mul3A_326 = arith.mulf %get3A_325, %get3A_325 : vector<16xf32>
      %add3A_327 = arith.addf %add3A_281, %mul3A_326 : vector<16xf32>
      scf.yield %add3A_294, %add3A_305, %add3A_316, %add3A_327 : vector<16xf32>, vector<16xf32>, vector<16xf32>, vector<16xf32>
    }
    %scan3A_142 = arith.constant 32 : i32
    %swap3A = arith.constant 0 : index
    %swap3A_143 = tpu.vector_load %arg8[%swap3A] {strides = array<i32>} : memref<128xf32, #tpu.memory_space<vmem>>, vector<16xf32>,
    %swap3A_144 = vector.shape_cast %swap3A_143 : vector<16xf32> to vector<16xf32>
    %swap3A_145 = vector.shape_cast %scan3A_141#0 : vector<16xf32> to vector<16xf32>
    tpu.vector_store %arg8[%swap3A], %swap3A_145 {strides = array<i32>} : memref<128xf32, #tpu.memory_space<vmem>>, vector<16xf32>,
    %swap3A_146 = arith.constant 16 : index
    %swap3A_147 = tpu.vector_load %arg8[%swap3A_146] {strides = array<i32>} : memref<128xf32, #tpu.memory_space<vmem>>, vector<16xf32>,
    %swap3A_148 = vector.shape_cast %swap3A_147 : vector<16xf32> to vector<16xf32>
    %swap3A_149 = vector.shape_cast %scan3A_141#1 : vector<16xf32> to vector<16xf32>
    tpu.vector_store %arg8[%swap3A_146], %swap3A_149 {strides = array<i32>} : memref<128xf32, #tpu.memory_space<vmem>>, vector<16xf32>,
    %swap3A_150 = arith.constant 32 : index
    %swap3A_151 = tpu.vector_load %arg8[%swap3A_150] {strides = array<i32>} : memref<128xf32, #tpu.memory_space<vmem>>, vector<16xf32>,
    %swap3A_152 = vector.shape_cast %swap3A_151 : vector<16xf32> to vector<16xf32>
    %swap3A_153 = vector.shape_cast %scan3A_141#2 : vector<16xf32> to vector<16xf32>
    tpu.vector_store %arg8[%swap3A_150], %swap3A_153 {strides = array<i32>} : memref<128xf32, #tpu.memory_space<vmem>>, vector<16xf32>,
    %swap3A_154 = arith.constant 48 : index
    %swap3A_155 = tpu.vector_load %arg8[%swap3A_154] {strides = array<i32>} : memref<128xf32, #tpu.memory_space<vmem>>, vector<16xf32>,
    %swap3A_156 = vector.shape_cast %swap3A_155 : vector<16xf32> to vector<16xf32>
    %swap3A_157 = vector.shape_cast %scan3A_141#3 : vector<16xf32> to vector<16xf32>
    tpu.vector_store %arg8[%swap3A_154], %swap3A_157 {strides = array<i32>} : memref<128xf32, #tpu.memory_space<vmem>>, vector<16xf32>,
    %add3A_158 = arith.constant 0 : i32
    %add3A_159 = arith.addi %mul3A_2, %add3A_158 : i32
    %dma_start3A_160 = arith.constant 0 : i32
    %dma_start3A_161 = tpu.memref_slice %arg8[%dma_start3A_160] : memref<128xf32, #tpu.memory_space<vmem>> -> memref<64xf32, #tpu.memory_space<vmem>>
    %dma_start3A_162 = tpu.memref_slice %arg4[%add3A_159] : memref<4096xf32, #tpu.memory_space<hbm>> -> memref<64xf32, #tpu.memory_space<hbm>>
    %dma_start3A_163 = tpu.memref_slice %arg4[%add3A_159] : memref<4096xf32, #tpu.memory_space<hbm>> -> memref<64xf32, #tpu.memory_space<hbm>>
    %dma_start3A_164 = arith.constant 0 : i32
    %dma_start3A_165 = tpu.memref_slice %arg8[%dma_start3A_164] : memref<128xf32, #tpu.memory_space<vmem>> -> memref<64xf32, #tpu.memory_space<vmem>>
    tpu.enqueue_dma source(%dma_start3A_165 : memref<64xf32, #tpu.memory_space<vmem>>) target(%dma_start3A_163 : memref<64xf32, #tpu.memory_space<hbm>>) target_semaphore(%arg14 : memref<!tpu.dma_semaphore, #tpu.memory_space<semaphore_mem>>)
    %broadcast_in_dim3A_166 = arith.constant 0.000000e+00 : f32
    %broadcast_in_dim3A_167 = vector.broadcast %broadcast_in_dim3A_166 : f32 to vector<16xf32>
    %broadcast_in_dim3A_168 = arith.constant 0.000000e+00 : f32
    %broadcast_in_dim3A_169 = vector.broadcast %broadcast_in_dim3A_168 : f32 to vector<16xf32>
    %broadcast_in_dim3A_170 = arith.constant 0.000000e+00 : f32
    %broadcast_in_dim3A_171 = vector.broadcast %broadcast_in_dim3A_170 : f32 to vector<16xf32>
    %broadcast_in_dim3A_172 = arith.constant 0.000000e+00 : f32
    %broadcast_in_dim3A_173 = vector.broadcast %broadcast_in_dim3A_172 : f32 to vector<16xf32>
    %dma_wait3A_174 = arith.constant 4096 : i32
    %dma_wait3A_175 = tpu.memref_slice %arg7[%dma_wait3A_174] : memref<8192xf32, #tpu.memory_space<vmem>> -> memref<2048xf32, #tpu.memory_space<vmem>>
    %dma_wait3A_176 = arith.constant 4096 : i32
    %dma_wait3A_177 = tpu.memref_slice %arg6[%dma_wait3A_176] : memref<8192xi32, #tpu.memory_space<vmem>> -> memref<2048xi32, #tpu.memory_space<vmem>>
    %dma_wait3A_178 = arith.constant 0 : i32
    %dma_wait3A_179 = tpu.memref_slice %arg2[%dma_wait3A_178] : memref<33554432xf32, #tpu.memory_space<hbm>> -> memref<33554432xf32, #tpu.memory_space<hbm>>
    tpu.wait_indirect_dma semaphore(%arg12 : memref<!tpu.dma_semaphore, #tpu.memory_space<semaphore_mem>>) src(%dma_wait3A_179 : memref<33554432xf32, #tpu.memory_space<hbm>>) dst(%dma_wait3A_175 : memref<2048xf32, #tpu.memory_space<vmem>>)
    %scan3A_180 = arith.constant 0 : i32
    %scan3A_181 = arith.constant 32 : i32
    %scan3A_182 = arith.addi %scan3A_180, %scan3A_181 : i32
    %scan3A_183 = arith.constant 2 : i32
    %scan3A_184:4 = scf.for %scan3A_234 = %scan3A_180 to %scan3A_182 step %scan3A_183 iter_args(%scan3A_235 = %broadcast_in_dim3A_167, %scan3A_236 = %broadcast_in_dim3A_169, %scan3A_237 = %broadcast_in_dim3A_171, %scan3A_238 = %broadcast_in_dim3A_173) -> (vector<16xf32>, vector<16xf32>, vector<16xf32>, vector<16xf32>)  : i32 {
      %mul3A_239 = arith.constant 64 : i32
      %mul3A_240 = arith.muli %scan3A_234, %mul3A_239 : i32
      %add3A_241 = arith.constant 4096 : i32
      %add3A_242 = arith.addi %add3A_241, %mul3A_240 : i32
      %add3A_243 = arith.constant 0 : i32
      %add3A_244 = arith.addi %add3A_242, %add3A_243 : i32
      %get3A = arith.index_cast %add3A_244 : i32 to index
      %get3A_245 = tpu.vector_load %arg7[%get3A] {strides = array<i32>} : memref<8192xf32, #tpu.memory_space<vmem>>, vector<16xf32>,
      %get3A_246 = vector.shape_cast %get3A_245 : vector<16xf32> to vector<16xf32>
      %mul3A_247 = arith.mulf %get3A_246, %get3A_246 : vector<16xf32>
      %add3A_248 = arith.addf %scan3A_235, %mul3A_247 : vector<16xf32>
      %mul3A_249 = arith.constant 64 : i32
      %mul3A_250 = arith.muli %scan3A_234, %mul3A_249 : i32
      %add3A_251 = arith.constant 4096 : i32
      %add3A_252 = arith.addi %add3A_251, %mul3A_250 : i32
      %add3A_253 = arith.constant 16 : i32
      %add3A_254 = arith.addi %add3A_252, %add3A_253 : i32
      %get3A_255 = arith.index_cast %add3A_254 : i32 to index
      %get3A_256 = tpu.vector_load %arg7[%get3A_255] {strides = array<i32>} : memref<8192xf32, #tpu.memory_space<vmem>>, vector<16xf32>,
      %get3A_257 = vector.shape_cast %get3A_256 : vector<16xf32> to vector<16xf32>
      %mul3A_258 = arith.mulf %get3A_257, %get3A_257 : vector<16xf32>
      %add3A_259 = arith.addf %scan3A_236, %mul3A_258 : vector<16xf32>
      %mul3A_260 = arith.constant 64 : i32
      %mul3A_261 = arith.muli %scan3A_234, %mul3A_260 : i32
      %add3A_262 = arith.constant 4096 : i32
      %add3A_263 = arith.addi %add3A_262, %mul3A_261 : i32
      %add3A_264 = arith.constant 32 : i32
      %add3A_265 = arith.addi %add3A_263, %add3A_264 : i32
      %get3A_266 = arith.index_cast %add3A_265 : i32 to index
      %get3A_267 = tpu.vector_load %arg7[%get3A_266] {strides = array<i32>} : memref<8192xf32, #tpu.memory_space<vmem>>, vector<16xf32>,
      %get3A_268 = vector.shape_cast %get3A_267 : vector<16xf32> to vector<16xf32>
      %mul3A_269 = arith.mulf %get3A_268, %get3A_268 : vector<16xf32>
      %add3A_270 = arith.addf %scan3A_237, %mul3A_269 : vector<16xf32>
      %mul3A_271 = arith.constant 64 : i32
      %mul3A_272 = arith.muli %scan3A_234, %mul3A_271 : i32
      %add3A_273 = arith.constant 4096 : i32
      %add3A_274 = arith.addi %add3A_273, %mul3A_272 : i32
      %add3A_275 = arith.constant 48 : i32
      %add3A_276 = arith.addi %add3A_274, %add3A_275 : i32
      %get3A_277 = arith.index_cast %add3A_276 : i32 to index
      %get3A_278 = tpu.vector_load %arg7[%get3A_277] {strides = array<i32>} : memref<8192xf32, #tpu.memory_space<vmem>>, vector<16xf32>,
      %get3A_279 = vector.shape_cast %get3A_278 : vector<16xf32> to vector<16xf32>
      %mul3A_280 = arith.mulf %get3A_279, %get3A_279 : vector<16xf32>
      %add3A_281 = arith.addf %scan3A_238, %mul3A_280 : vector<16xf32>
      %scan3A_282 = arith.constant 1 : i32
      %scan3A_283 = arith.addi %scan3A_234, %scan3A_282 : i32
      %mul3A_284 = arith.constant 64 : i32
      %mul3A_285 = arith.muli %scan3A_283, %mul3A_284 : i32
      %add3A_286 = arith.constant 4096 : i32
      %add3A_287 = arith.addi %add3A_286, %mul3A_285 : i32
      %add3A_288 = arith.constant 0 : i32
      %add3A_289 = arith.addi %add3A_287, %add3A_288 : i32
      %get3A_290 = arith.index_cast %add3A_289 : i32 to index
      %get3A_291 = tpu.vector_load %arg7[%get3A_290] {strides = array<i32>} : memref<8192xf32, #tpu.memory_space<vmem>>, vector<16xf32>,
      %get3A_292 = vector.shape_cast %get3A_291 : vector<16xf32> to vector<16xf32>
      %mul3A_293 = arith.mulf %get3A_292, %get3A_292 : vector<16xf32>
      %add3A_294 = arith.addf %add3A_248, %mul3A_293 : vector<16xf32>
      %mul3A_295 = arith.constant 64 : i32
      %mul3A_296 = arith.muli %scan3A_283, %mul3A_295 : i32
      %add3A_297 = arith.constant 4096 : i32
      %add3A_298 = arith.addi %add3A_297, %mul3A_296 : i32
      %add3A_299 = arith.constant 16 : i32
      %add3A_300 = arith.addi %add3A_298, %add3A_299 : i32
      %get3A_301 = arith.index_cast %add3A_300 : i32 to index
      %get3A_302 = tpu.vector_load %arg7[%get3A_301] {strides = array<i32>} : memref<8192xf32, #tpu.memory_space<vmem>>, vector<16xf32>,
      %get3A_303 = vector.shape_cast %get3A_302 : vector<16xf32> to vector<16xf32>
      %mul3A_304 = arith.mulf %get3A_303, %get3A_303 : vector<16xf32>
      %add3A_305 = arith.addf %add3A_259, %mul3A_304 : vector<16xf32>
      %mul3A_306 = arith.constant 64 : i32
      %mul3A_307 = arith.muli %scan3A_283, %mul3A_306 : i32
      %add3A_308 = arith.constant 4096 : i32
      %add3A_309 = arith.addi %add3A_308, %mul3A_307 : i32
      %add3A_310 = arith.constant 32 : i32
      %add3A_311 = arith.addi %add3A_309, %add3A_310 : i32
      %get3A_312 = arith.index_cast %add3A_311 : i32 to index
      %get3A_313 = tpu.vector_load %arg7[%get3A_312] {strides = array<i32>} : memref<8192xf32, #tpu.memory_space<vmem>>, vector<16xf32>,
      %get3A_314 = vector.shape_cast %get3A_313 : vector<16xf32> to vector<16xf32>
      %mul3A_315 = arith.mulf %get3A_314, %get3A_314 : vector<16xf32>
      %add3A_316 = arith.addf %add3A_270, %mul3A_315 : vector<16xf32>
      %mul3A_317 = arith.constant 64 : i32
      %mul3A_318 = arith.muli %scan3A_283, %mul3A_317 : i32
      %add3A_319 = arith.constant 4096 : i32
      %add3A_320 = arith.addi %add3A_319, %mul3A_318 : i32
      %add3A_321 = arith.constant 48 : i32
      %add3A_322 = arith.addi %add3A_320, %add3A_321 : i32
      %get3A_323 = arith.index_cast %add3A_322 : i32 to index
      %get3A_324 = tpu.vector_load %arg7[%get3A_323] {strides = array<i32>} : memref<8192xf32, #tpu.memory_space<vmem>>, vector<16xf32>,
      %get3A_325 = vector.shape_cast %get3A_324 : vector<16xf32> to vector<16xf32>
      %mul3A_326 = arith.mulf %get3A_325, %get3A_325 : vector<16xf32>
      %add3A_327 = arith.addf %add3A_281, %mul3A_326 : vector<16xf32>
      scf.yield %add3A_294, %add3A_305, %add3A_316, %add3A_327 : vector<16xf32>, vector<16xf32>, vector<16xf32>, vector<16xf32>
    }
    %scan3A_185 = arith.constant 32 : i32
    %dma_wait3A_186 = arith.constant 6144 : i32
    %dma_wait3A_187 = tpu.memref_slice %arg7[%dma_wait3A_186] : memref<8192xf32, #tpu.memory_space<vmem>> -> memref<2048xf32, #tpu.memory_space<vmem>>
    %dma_wait3A_188 = arith.constant 6144 : i32
    %dma_wait3A_189 = tpu.memref_slice %arg6[%dma_wait3A_188] : memref<8192xi32, #tpu.memory_space<vmem>> -> memref<2048xi32, #tpu.memory_space<vmem>>
    %dma_wait3A_190 = arith.constant 0 : i32
    %dma_wait3A_191 = tpu.memref_slice %arg2[%dma_wait3A_190] : memref<33554432xf32, #tpu.memory_space<hbm>> -> memref<33554432xf32, #tpu.memory_space<hbm>>
    tpu.wait_indirect_dma semaphore(%arg13 : memref<!tpu.dma_semaphore, #tpu.memory_space<semaphore_mem>>) src(%dma_wait3A_191 : memref<33554432xf32, #tpu.memory_space<hbm>>) dst(%dma_wait3A_187 : memref<2048xf32, #tpu.memory_space<vmem>>)
    %scan3A_192 = arith.constant 0 : i32
    %scan3A_193 = arith.constant 32 : i32
    %scan3A_194 = arith.addi %scan3A_192, %scan3A_193 : i32
    %scan3A_195 = arith.constant 2 : i32
    %scan3A_196:4 = scf.for %scan3A_234 = %scan3A_192 to %scan3A_194 step %scan3A_195 iter_args(%scan3A_235 = %scan3A_184#0, %scan3A_236 = %scan3A_184#1, %scan3A_237 = %scan3A_184#2, %scan3A_238 = %scan3A_184#3) -> (vector<16xf32>, vector<16xf32>, vector<16xf32>, vector<16xf32>)  : i32 {
      %mul3A_239 = arith.constant 64 : i32
      %mul3A_240 = arith.muli %scan3A_234, %mul3A_239 : i32
      %add3A_241 = arith.constant 6144 : i32
      %add3A_242 = arith.addi %add3A_241, %mul3A_240 : i32
      %add3A_243 = arith.constant 0 : i32
      %add3A_244 = arith.addi %add3A_242, %add3A_243 : i32
      %get3A = arith.index_cast %add3A_244 : i32 to index
      %get3A_245 = tpu.vector_load %arg7[%get3A] {strides = array<i32>} : memref<8192xf32, #tpu.memory_space<vmem>>, vector<16xf32>,
      %get3A_246 = vector.shape_cast %get3A_245 : vector<16xf32> to vector<16xf32>
      %mul3A_247 = arith.mulf %get3A_246, %get3A_246 : vector<16xf32>
      %add3A_248 = arith.addf %scan3A_235, %mul3A_247 : vector<16xf32>
      %mul3A_249 = arith.constant 64 : i32
      %mul3A_250 = arith.muli %scan3A_234, %mul3A_249 : i32
      %add3A_251 = arith.constant 6144 : i32
      %add3A_252 = arith.addi %add3A_251, %mul3A_250 : i32
      %add3A_253 = arith.constant 16 : i32
      %add3A_254 = arith.addi %add3A_252, %add3A_253 : i32
      %get3A_255 = arith.index_cast %add3A_254 : i32 to index
      %get3A_256 = tpu.vector_load %arg7[%get3A_255] {strides = array<i32>} : memref<8192xf32, #tpu.memory_space<vmem>>, vector<16xf32>,
      %get3A_257 = vector.shape_cast %get3A_256 : vector<16xf32> to vector<16xf32>
      %mul3A_258 = arith.mulf %get3A_257, %get3A_257 : vector<16xf32>
      %add3A_259 = arith.addf %scan3A_236, %mul3A_258 : vector<16xf32>
      %mul3A_260 = arith.constant 64 : i32
      %mul3A_261 = arith.muli %scan3A_234, %mul3A_260 : i32
      %add3A_262 = arith.constant 6144 : i32
      %add3A_263 = arith.addi %add3A_262, %mul3A_261 : i32
      %add3A_264 = arith.constant 32 : i32
      %add3A_265 = arith.addi %add3A_263, %add3A_264 : i32
      %get3A_266 = arith.index_cast %add3A_265 : i32 to index
      %get3A_267 = tpu.vector_load %arg7[%get3A_266] {strides = array<i32>} : memref<8192xf32, #tpu.memory_space<vmem>>, vector<16xf32>,
      %get3A_268 = vector.shape_cast %get3A_267 : vector<16xf32> to vector<16xf32>
      %mul3A_269 = arith.mulf %get3A_268, %get3A_268 : vector<16xf32>
      %add3A_270 = arith.addf %scan3A_237, %mul3A_269 : vector<16xf32>
      %mul3A_271 = arith.constant 64 : i32
      %mul3A_272 = arith.muli %scan3A_234, %mul3A_271 : i32
      %add3A_273 = arith.constant 6144 : i32
      %add3A_274 = arith.addi %add3A_273, %mul3A_272 : i32
      %add3A_275 = arith.constant 48 : i32
      %add3A_276 = arith.addi %add3A_274, %add3A_275 : i32
      %get3A_277 = arith.index_cast %add3A_276 : i32 to index
      %get3A_278 = tpu.vector_load %arg7[%get3A_277] {strides = array<i32>} : memref<8192xf32, #tpu.memory_space<vmem>>, vector<16xf32>,
      %get3A_279 = vector.shape_cast %get3A_278 : vector<16xf32> to vector<16xf32>
      %mul3A_280 = arith.mulf %get3A_279, %get3A_279 : vector<16xf32>
      %add3A_281 = arith.addf %scan3A_238, %mul3A_280 : vector<16xf32>
      %scan3A_282 = arith.constant 1 : i32
      %scan3A_283 = arith.addi %scan3A_234, %scan3A_282 : i32
      %mul3A_284 = arith.constant 64 : i32
      %mul3A_285 = arith.muli %scan3A_283, %mul3A_284 : i32
      %add3A_286 = arith.constant 6144 : i32
      %add3A_287 = arith.addi %add3A_286, %mul3A_285 : i32
      %add3A_288 = arith.constant 0 : i32
      %add3A_289 = arith.addi %add3A_287, %add3A_288 : i32
      %get3A_290 = arith.index_cast %add3A_289 : i32 to index
      %get3A_291 = tpu.vector_load %arg7[%get3A_290] {strides = array<i32>} : memref<8192xf32, #tpu.memory_space<vmem>>, vector<16xf32>,
      %get3A_292 = vector.shape_cast %get3A_291 : vector<16xf32> to vector<16xf32>
      %mul3A_293 = arith.mulf %get3A_292, %get3A_292 : vector<16xf32>
      %add3A_294 = arith.addf %add3A_248, %mul3A_293 : vector<16xf32>
      %mul3A_295 = arith.constant 64 : i32
      %mul3A_296 = arith.muli %scan3A_283, %mul3A_295 : i32
      %add3A_297 = arith.constant 6144 : i32
      %add3A_298 = arith.addi %add3A_297, %mul3A_296 : i32
      %add3A_299 = arith.constant 16 : i32
      %add3A_300 = arith.addi %add3A_298, %add3A_299 : i32
      %get3A_301 = arith.index_cast %add3A_300 : i32 to index
      %get3A_302 = tpu.vector_load %arg7[%get3A_301] {strides = array<i32>} : memref<8192xf32, #tpu.memory_space<vmem>>, vector<16xf32>,
      %get3A_303 = vector.shape_cast %get3A_302 : vector<16xf32> to vector<16xf32>
      %mul3A_304 = arith.mulf %get3A_303, %get3A_303 : vector<16xf32>
      %add3A_305 = arith.addf %add3A_259, %mul3A_304 : vector<16xf32>
      %mul3A_306 = arith.constant 64 : i32
      %mul3A_307 = arith.muli %scan3A_283, %mul3A_306 : i32
      %add3A_308 = arith.constant 6144 : i32
      %add3A_309 = arith.addi %add3A_308, %mul3A_307 : i32
      %add3A_310 = arith.constant 32 : i32
      %add3A_311 = arith.addi %add3A_309, %add3A_310 : i32
      %get3A_312 = arith.index_cast %add3A_311 : i32 to index
      %get3A_313 = tpu.vector_load %arg7[%get3A_312] {strides = array<i32>} : memref<8192xf32, #tpu.memory_space<vmem>>, vector<16xf32>,
      %get3A_314 = vector.shape_cast %get3A_313 : vector<16xf32> to vector<16xf32>
      %mul3A_315 = arith.mulf %get3A_314, %get3A_314 : vector<16xf32>
      %add3A_316 = arith.addf %add3A_270, %mul3A_315 : vector<16xf32>
      %mul3A_317 = arith.constant 64 : i32
      %mul3A_318 = arith.muli %scan3A_283, %mul3A_317 : i32
      %add3A_319 = arith.constant 6144 : i32
      %add3A_320 = arith.addi %add3A_319, %mul3A_318 : i32
      %add3A_321 = arith.constant 48 : i32
      %add3A_322 = arith.addi %add3A_320, %add3A_321 : i32
      %get3A_323 = arith.index_cast %add3A_322 : i32 to index
      %get3A_324 = tpu.vector_load %arg7[%get3A_323] {strides = array<i32>} : memref<8192xf32, #tpu.memory_space<vmem>>, vector<16xf32>,
      %get3A_325 = vector.shape_cast %get3A_324 : vector<16xf32> to vector<16xf32>
      %mul3A_326 = arith.mulf %get3A_325, %get3A_325 : vector<16xf32>
      %add3A_327 = arith.addf %add3A_281, %mul3A_326 : vector<16xf32>
      scf.yield %add3A_294, %add3A_305, %add3A_316, %add3A_327 : vector<16xf32>, vector<16xf32>, vector<16xf32>, vector<16xf32>
    }
    %scan3A_197 = arith.constant 32 : i32
    %swap3A_198 = arith.constant 64 : index
    %swap3A_199 = tpu.vector_load %arg8[%swap3A_198] {strides = array<i32>} : memref<128xf32, #tpu.memory_space<vmem>>, vector<16xf32>,
    %swap3A_200 = vector.shape_cast %swap3A_199 : vector<16xf32> to vector<16xf32>
    %swap3A_201 = vector.shape_cast %scan3A_196#0 : vector<16xf32> to vector<16xf32>
    tpu.vector_store %arg8[%swap3A_198], %swap3A_201 {strides = array<i32>} : memref<128xf32, #tpu.memory_space<vmem>>, vector<16xf32>,
    %swap3A_202 = arith.constant 80 : index
    %swap3A_203 = tpu.vector_load %arg8[%swap3A_202] {strides = array<i32>} : memref<128xf32, #tpu.memory_space<vmem>>, vector<16xf32>,
    %swap3A_204 = vector.shape_cast %swap3A_203 : vector<16xf32> to vector<16xf32>
    %swap3A_205 = vector.shape_cast %scan3A_196#1 : vector<16xf32> to vector<16xf32>
    tpu.vector_store %arg8[%swap3A_202], %swap3A_205 {strides = array<i32>} : memref<128xf32, #tpu.memory_space<vmem>>, vector<16xf32>,
    %swap3A_206 = arith.constant 96 : index
    %swap3A_207 = tpu.vector_load %arg8[%swap3A_206] {strides = array<i32>} : memref<128xf32, #tpu.memory_space<vmem>>, vector<16xf32>,
    %swap3A_208 = vector.shape_cast %swap3A_207 : vector<16xf32> to vector<16xf32>
    %swap3A_209 = vector.shape_cast %scan3A_196#2 : vector<16xf32> to vector<16xf32>
    tpu.vector_store %arg8[%swap3A_206], %swap3A_209 {strides = array<i32>} : memref<128xf32, #tpu.memory_space<vmem>>, vector<16xf32>,
    %swap3A_210 = arith.constant 112 : index
    %swap3A_211 = tpu.vector_load %arg8[%swap3A_210] {strides = array<i32>} : memref<128xf32, #tpu.memory_space<vmem>>, vector<16xf32>,
    %swap3A_212 = vector.shape_cast %swap3A_211 : vector<16xf32> to vector<16xf32>
    %swap3A_213 = vector.shape_cast %scan3A_196#3 : vector<16xf32> to vector<16xf32>
    tpu.vector_store %arg8[%swap3A_210], %swap3A_213 {strides = array<i32>} : memref<128xf32, #tpu.memory_space<vmem>>, vector<16xf32>,
    %add3A_214 = arith.constant 64 : i32
    %add3A_215 = arith.addi %mul3A_2, %add3A_214 : i32
    %dma_start3A_216 = arith.constant 64 : i32
    %dma_start3A_217 = tpu.memref_slice %arg8[%dma_start3A_216] : memref<128xf32, #tpu.memory_space<vmem>> -> memref<64xf32, #tpu.memory_space<vmem>>
    %dma_start3A_218 = tpu.memref_slice %arg4[%add3A_215] : memref<4096xf32, #tpu.memory_space<hbm>> -> memref<64xf32, #tpu.memory_space<hbm>>
    %dma_start3A_219 = tpu.memref_slice %arg4[%add3A_215] : memref<4096xf32, #tpu.memory_space<hbm>> -> memref<64xf32, #tpu.memory_space<hbm>>
    %dma_start3A_220 = arith.constant 64 : i32
    %dma_start3A_221 = tpu.memref_slice %arg8[%dma_start3A_220] : memref<128xf32, #tpu.memory_space<vmem>> -> memref<64xf32, #tpu.memory_space<vmem>>
    tpu.enqueue_dma source(%dma_start3A_221 : memref<64xf32, #tpu.memory_space<vmem>>) target(%dma_start3A_219 : memref<64xf32, #tpu.memory_space<hbm>>) target_semaphore(%arg15 : memref<!tpu.dma_semaphore, #tpu.memory_space<semaphore_mem>>)
    %dma_wait3A_222 = arith.constant 0 : i32
    %dma_wait3A_223 = tpu.memref_slice %arg8[%dma_wait3A_222] : memref<128xf32, #tpu.memory_space<vmem>> -> memref<64xf32, #tpu.memory_space<vmem>>
    %dma_wait3A_224 = tpu.memref_slice %arg4[%add3A_159] : memref<4096xf32, #tpu.memory_space<hbm>> -> memref<64xf32, #tpu.memory_space<hbm>>
    %dma_wait3A_225 = tpu.memref_slice %arg4[%add3A_159] : memref<4096xf32, #tpu.memory_space<hbm>> -> memref<64xf32, #tpu.memory_space<hbm>>
    %dma_wait3A_226 = arith.constant 0 : i32
    %dma_wait3A_227 = tpu.memref_slice %arg8[%dma_wait3A_226] : memref<128xf32, #tpu.memory_space<vmem>> -> memref<64xf32, #tpu.memory_space<vmem>>
    tpu.wait_dma2 semaphore(%arg14 : memref<!tpu.dma_semaphore, #tpu.memory_space<semaphore_mem>>) src(%dma_wait3A_227 : memref<64xf32, #tpu.memory_space<vmem>>) dst(%dma_wait3A_225 : memref<64xf32, #tpu.memory_space<hbm>>)
    %dma_wait3A_228 = arith.constant 64 : i32
    %dma_wait3A_229 = tpu.memref_slice %arg8[%dma_wait3A_228] : memref<128xf32, #tpu.memory_space<vmem>> -> memref<64xf32, #tpu.memory_space<vmem>>
    %dma_wait3A_230 = tpu.memref_slice %arg4[%add3A_215] : memref<4096xf32, #tpu.memory_space<hbm>> -> memref<64xf32, #tpu.memory_space<hbm>>
    %dma_wait3A_231 = tpu.memref_slice %arg4[%add3A_215] : memref<4096xf32, #tpu.memory_space<hbm>> -> memref<64xf32, #tpu.memory_space<hbm>>
    %dma_wait3A_232 = arith.constant 64 : i32
    %dma_wait3A_233 = tpu.memref_slice %arg8[%dma_wait3A_232] : memref<128xf32, #tpu.memory_space<vmem>> -> memref<64xf32, #tpu.memory_space<vmem>>
    tpu.wait_dma2 semaphore(%arg15 : memref<!tpu.dma_semaphore, #tpu.memory_space<semaphore_mem>>) src(%dma_wait3A_233 : memref<64xf32, #tpu.memory_space<vmem>>) dst(%dma_wait3A_231 : memref<64xf32, #tpu.memory_space<hbm>>)
    return
  }
}

</mosaic_0001>

<sc_bundles>
// kernel: kernel.3.cloned.1.call-start
scs
__scs_entry_jumppad:
0x0: {  	(pc) =	sbr.rel $0x88, $3  }
0x1: {  	(tag) =	ssettag $0x0;
	lr =	simm.s32 $0x1  }
0x2: {  	[smem:$0x3F9E] =	sst lr;
	_ =	strace $0xD0000000  }
0x3: {  	_ = 	snop  }
0x4: {  	_ = 	snop  }
0x5: {  	_ = 	snop  }
0x6: {  	_ = 	snop  }
0x7: {  	_ = 	snop  }
__scs_overlays_trampoline_lowered:
0x8: {  	[smem:$0x3FAD] =	sst s0  }
0x9: {  	[smem:$0x3FAE] =	sst s1  }
0xa: {  	[smem:$0x3FAF] =	sst s2  }
0xb: {  	[smem:$0x3FB0] =	sst s3  }
0xc: {  	[smem:$0x3FB1] =	sst s4  }
0xd: {  	[smem:$0x3FB2] =	sst s5  }
0xe: {  	[smem:$0x3FB3] =	sst s6  }
0xf: {  	[smem:$0x3FB4] =	sst s7  }
0x10: {  	[smem:$0x3FB5] =	sst s8  }
0x11: {  	[smem:$0x3FB6] =	sst s9;
	s0 =	simm.s32 @!p0 $0x0  }
0x12: {  	s1 =	sld [smem:$0x3F9C];
	s0 =	simm.s32 @p0 $0x1  }
0x13: {  	[smem:$0x3FB7] =	sst s0;
	s0 =	simm.s32 @!p1 $0x0  }
0x14: {  	s2 =	sld [smem:$0x3F9B];
	s0 =	simm.s32 @p1 $0x1  }
0x15: {  	[smem:$0x3FB8] =	sst s0;
	s0 =	simm.s32 @!p2 $0x0  }
0x16: {  	s3 =	sld [smem:$0x3FDB];
	s0 =	simm.s32 @p2 $0x1  }
0x17: {  	s4 =	simm.s32 $0x1BF5;
	[smem:$0x3FBA] =	sst s0  }
0x18: {  	s0 =	sld [smem:$0x3F9D];
	_ =	swait.ge [sflag:s4], $0x0  }
0x19: {  	s7 =	sld [smem:$0x3F9E]  }
0x1a: {  	s8 =	sadd.s32 $0xFFFFE003, lr  }
0x1b: {  	s9 =	sadd.s32 $0xFFFFFEF7, lr;
	s5 =	simm.s32 $0xFFFFFFFF;
	p2 =	slt.u32 s8, $0xFFFFF086  }
0x1c: {  	p1 =	slt.u32 s9, $0xF7A;
	s5 =	simm.s32 @!p2 $0x0  }
0x1d: {  	s5 =	simm.s32 @p1 $0x1;
	p0 =	seq.s32 s7, s2  }
0x1e: {  	s7 =	smul.u32 @!p0 $0xF7A, s2;
	p2 =	seq.s32 @!p0 s5, $0x0  }
0x1f: {  	s9 =	smul.u32 $0xF7A, s1;
	s8 =	simm.s32 @!p0 $0x1BF5;
	p2 =	por !p2, p0  }
0x20: {  	[sflag:s8] =	ssyncset.s32 @!p0 $0xFFFFF086;
	s6 =	sadd.s32 @!p0 s3, s7;
	s7 =	simm.s32 @!p0 $0x108  }
0x21: {  	s3 =	sadd.s32 s3, s9;
	s6 =	sadd.s32 @!p0 $0x88, s6;
	s7 =	simm.s32 @p2 $0x1082  }
0x22: {  	[simem:s7], [sflag:s8] =	dma.local @!p0 [hbm:s6], $0xF7A  }
0x23: {  	s9 =	sor.u32 $0xD0000000, s2;
	s6 =	simm.s32 $0x108;
	_ =	swait.ge @!p0 [sflag:s8], $0x0  }
0x24: {  	s3 =	sadd.s32 $0x88, s3;
	s6 =	simm.s32 @!p1 $0x1082;
	[sflag:s4] =	ssyncset.s32 $0xFFFFF086  }
0x25: {  	[simem:s6], [sflag:s4] =	dma.local [hbm:s3], $0xF7A  }
0x26: {  	[smem:$0x3F9E] =	sst s1;
	(tag) =	ssettag s2;
	_ =	strace s9  }
0x27: {  	s1 =	sld [smem:$0x3FAE]  }
0x28: {  	s2 =	sld [smem:$0x3FAF]  }
0x29: {  	s4 =	sld [smem:$0x3FB1]  }
0x2a: {  	p0 =	seq.s32 s5, $0x0;
	s5 =	sld [smem:$0x3FB2]  }
0x2b: {  	s6 =	sld [smem:$0x3FB3]  }
0x2c: {  	s7 =	sld [smem:$0x3FB4]  }
0x2d: {  	s3 =	simm.s32 $0x108;
	s8 =	sld [smem:$0x3FB5]  }
0x2e: {  	s3 =	simm.s32 @!p0 $0x1082;
	s9 =	sld [smem:$0x3FB6]  }
0x2f: {  	lr =	sadd.s32 s0, s3;
	s0 =	sld [smem:$0x3FAD]  }
0x30: {  	s3 =	sld [smem:$0x3FB0]  }
0x31: {  	[smem:$0x3FB9] =	sst s10  }
0x32: {  	s10 =	sld [smem:$0x3FB7];
	_ =	sdelay $0x3  }
0x33: {  	p0 =	seq.s32 s10, $0x1;
	s10 =	sld [smem:$0x3FB9];
	_ =	sdelay $0x3  }
0x34: {  	[smem:$0x3FB9] =	sst s10  }
0x35: {  	s10 =	sld [smem:$0x3FB8];
	_ =	sdelay $0x3  }
0x36: {  	p1 =	seq.s32 s10, $0x1;
	s10 =	sld [smem:$0x3FB9];
	_ =	sdelay $0x3  }
0x37: {  	[smem:$0x3FB9] =	sst s10  }
0x38: {  	s10 =	sld [smem:$0x3FBA]  }
0x39: {  	_ = 	snop;
	(pc) =	sbr.ind lr, $3  }
0x3a: {  	_ = 	snop  }
0x3b: {  	_ = 	snop  }
0x3c: {  	p2 =	seq.s32 s10, $0x1;
	s10 =	sld [smem:$0x3FB9]  }
0x3d: {  	_ =	shalt  }
0x3e: {  	_ =	shalt  }
0x3f: {  	_ =	shalt  }
0x40: {  	_ =	shalt  }
0x41: {  	_ =	shalt  }
0x42: {  	_ =	shalt  }
0x43: {  	_ =	shalt  }
0x44: {  	_ =	shalt  }
0x45: {  	_ =	shalt  }
0x46: {  	_ =	shalt  }
0x47: {  	_ =	shalt  }
0x48: {  	_ =	shalt  }
0x49: {  	_ =	shalt  }
0x4a: {  	_ =	shalt  }
0x4b: {  	_ =	shalt  }
0x4c: {  	_ =	shalt  }
0x4d: {  	_ =	shalt  }
0x4e: {  	_ =	shalt  }
0x4f: {  	_ =	shalt  }
0x50: {  	_ =	shalt  }
0x51: {  	_ =	shalt  }
0x52: {  	_ =	shalt  }
0x53: {  	_ =	shalt  }
0x54: {  	_ =	shalt  }
0x55: {  	_ =	shalt  }
0x56: {  	_ =	shalt  }
0x57: {  	_ =	shalt  }
0x58: {  	_ =	shalt  }
0x59: {  	_ =	shalt  }
0x5a: {  	_ =	shalt  }
0x5b: {  	_ =	shalt  }
0x5c: {  	_ =	shalt  }
0x5d: {  	_ =	shalt  }
0x5e: {  	_ =	shalt  }
0x5f: {  	_ =	shalt  }
0x60: {  	_ =	shalt  }
0x61: {  	_ =	shalt  }
0x62: {  	_ =	shalt  }
0x63: {  	_ =	shalt  }
0x64: {  	_ =	shalt  }
0x65: {  	_ =	shalt  }
0x66: {  	_ =	shalt  }
0x67: {  	_ =	shalt  }
0x68: {  	_ =	shalt  }
0x69: {  	_ =	shalt  }
0x6a: {  	_ =	shalt  }
0x6b: {  	_ =	shalt  }
0x6c: {  	_ =	shalt  }
0x6d: {  	_ =	shalt  }
0x6e: {  	_ =	shalt  }
0x6f: {  	_ =	shalt  }
0x70: {  	_ =	shalt  }
0x71: {  	_ =	shalt  }
0x72: {  	_ =	shalt  }
0x73: {  	_ =	shalt  }
0x74: {  	_ =	shalt  }
0x75: {  	_ =	shalt  }
0x76: {  	_ =	shalt  }
0x77: {  	_ =	shalt  }
0x78: {  	_ =	shalt  }
0x79: {  	_ =	shalt  }
0x7a: {  	_ =	shalt  }
0x7b: {  	_ =	shalt  }
0x7c: {  	_ =	shalt  }
0x7d: {  	_ =	shalt  }
0x7e: {  	_ =	shalt  }
0x7f: {  	_ =	shalt  }
0x80: {  	_ =	shalt  }
0x81: {  	_ =	shalt  }
0x82: {  	_ =	shalt  }
0x83: {  	_ =	shalt  }
0x84: {  	_ =	shalt  }
0x85: {  	_ =	shalt  }
0x86: {  	_ =	shalt  }
0x87: {  	_ =	shalt  }
.Lfunc_end0:
.L_simem_size_0:
called_computation_lowered:
.L_overlay_start_0:
0x88: {  	s2 =	sld [smem:$0x3FD9]  }
0x89: {  	s3 =	sld [smem:$0x3FFE];
	_ =	sdelay $0x1  }
0x8a: {  	s1 =	srdreg.scid  }
0x8b: {  	s0 =	sand.u32 $0x1, s1  }
0x8c: {  	s17 =	sshll.u32 s0, $0xA;
	s2 =	sadd.s32 s3, s2  }
0x8d: {  	s2 =	sadd.s32 s2, s17  }
0x8e: {  	[smem:$0x3FC5] =	sst s2  }
0x8f: {  	_ = 	snop  }
0x90: {  	s2 =	sld [smem:$0x3FC9]  }
0x91: {  	s18 =	sld [smem:$0x3FD0];
	(tm) =	ssettm $0x1  }
0x92: {  	s4 =	sld [smem:$0x3FFB];
	_ =	sdelay $0x3  }
0x93: {  	_ =	strace s4  }
0x94: {  	s4 =	sld [smem:$0x3FFC];
	_ =	sdelay $0x3  }
0x95: {  	_ =	strace s4  }
0x96: {  	s4 =	sld [smem:$0x3FFD];
	_ =	sdelay $0x3  }
0x97: {  	_ =	strace s4  }
0x98: {  	_ =	strace $0x8FFFFFFF  }
0x99: {  	s19 =	sld [smem:$0x3FDB];
	_ =	sdelay $0x1  }
0x9a: {  	s5 =	simm.s32 $_scs_section_size  }
0x9b: {  	s6 =	simm.s32 $_size__tile_overlayer_lowered;
	s7 =	simm.s32 $_tile_overlayer_lowered  }
0x9c: {  	s22 =	simm.s32 $0x1BFF;
	s21 =	sshll.u32 s7, $0x1;
	s4 =	sadd.s32 s5, s19  }
0x9d: {  	s8 =	simm.s32 $0x0;
	s20 =	sshll.u32 s6, $0x1;
	s6 =	sadd.s32 s21, s4  }
0x9e: {  	[timem:s8], [sflag:s22] =	dma.local [hbm:s6], s20  }
0x9f: {  	_ =	swait.ge [sflag:s22], s20  }
0xa0: {  	s5 =	ssub.s32 $0x0, s20;
	[sflag:s22] =	ssyncset.done $0x0  }
0xa1: {  	[sflag:s22] =	ssyncadd.s32 s5;
	_ =	sdelay $0x1  }
0xa2: {  	s23 =	simm.s32 $0x1B8B  }
0xa3: {  	_ =	swait.ge [sflag:s23], $0x1  }
0xa4: {  	[sflag:s23] =	ssyncset.done $0x0  }
0xa5: {  	s25 =	simm.s32 $0x1B8E;
	s24 =	sld [smem:$0x3FFE];
	[sflag:s23] =	ssyncadd.s32 $0xFFFFFFFF  }
0xa6: {  	s26 =	simm.s32 $execute0_lowered;
	[smem:$0x3FD2] =	sst s25  }
0xa7: {  	s6 =	sshll.u32 s26, $0x1;
	_ =	strace $0x80000046;
	[dreg:$0x1] =	wrdreg $0xFFFFFFFF  }
0xa8: {  	s28 =	simm.s32 $_size_execute0_lowered;
	s4 =	sadd.s32 s4, s6;
	[dreg:$0x0] =	wrdreg $0x0  }
0xa9: {  	s6 =	sshll.u32 s28, $0x1;
	[dreg:$0x2] =	wrdreg s4  }
0xaa: {  	[dreg:$0x3] =	wrdreg s6  }
0xab: {  	[dreg:$0x4] =	wrdreg $0xC0  }
0xac: {  	_ =	task [dreg:s8], $0x5FFFF  }
0xad: {  	[dreg:$0x1] =	wrdreg $0xFFFFFFFF  }
0xae: {  	[dreg:$0x0] =	wrdreg $0x60  }
0xaf: {  	[dreg:$0x2] =	wrdreg s2  }
0xb0: {  	[dreg:$0x3] =	wrdreg s24  }
0xb1: {  	[dreg:$0x4] =	wrdreg s18  }
0xb2: {  	[dreg:$0x5] =	wrdreg $0x9  }
0xb3: {  	_ =	task.clear_ibuf [dreg:s8], $0x6FFFF;
	_ =	strace $0x90000046  }
0xb4: {  	s29 =	simm.s32 $0x9;
	_ =	strace $0x80000048  }
0xb5: {  	_ =	swait.ge [sflag:s29], $0x1  }
0xb6: {  	[sflag:s29] =	ssyncadd.s32 $0xFFFFFFFF  }
0xb7: {  	_ =	strace $0x90000048  }
0xb8: {  	_ =	sfence  }
0xb9: {  	s30 =	sld [smem:$0x0];
	_ =	sdelay $0x2  }
0xba: {  	s31 =	sshll.u32 s1, $0xD;
	s1 =	sshrl.u32 s1, $0x2  }
0xbb: {  	s3 =	sand.u32 $0x4000, s31;
	s1 =	sadd.s32 s1, s30  }
0xbc: {  	s0 =	sor.u32 s3, s0;
	s1 =	sshll.u32 s1, $0x11  }
0xbd: {  	s0 =	sor.u32 s1, s0  }
0xbe: {  	s0 =	sadd.s32 $0x8F2B, s0  }
0xbf: {  	[sflag:s0] =	ssyncadd.remote.s32 $0x1  }
0xc0: {  	_ =	sfence.sel $0xFFFF  }
0xc1: {  	[dreg:$0x0] =	wrdreg $0xFFFFFFFF;
	(pc) =	sbr.abs _section_cstart, $3  }
0xc2: {  	[dreg:$0x1] =	wrdreg $0xFFFFFFFF  }
0xc3: {  	_ =	task.clear_ibuf [dreg:s8], $0x2FFFF;
	_ =	strace $0x9FFFFFFF  }
0xc4: {  	(tm) =	ssettm $0x7FFFFFFF  }
0xc5: {  	_ =	shalt  }
tec
execute0_lowered:
.L_overlay_start_1:
0x0: {  	(tag) =	ssettag $0x1  }
0x1: {  	s1 =	rddreg [dreg:$0x0]  }
0x2: {  	s4 =	rddreg [dreg:$0x1]  }
0x3: {  	s6 =	rddreg [dreg:$0x2]  }
0x4: {  	s0 =	rddreg [dreg:$0x3];
	s2 =	simm.s32 $0x0  }
0x5: {  	s3 =	srdreg.scid;
	s12 =	simm.s32 $0x2880;
	s13 =	simm.s32 $0x1080  }
0x6: {  	s14 =	simm.s32 $0x3080;
	s15 =	simm.s32 $0x1880;
	s16 =	simm.s32 $0x3880  }
0x7: {  	s20 =	simm.s32 $0x4;
	s5 =	sand.u32 $0x1, s3;
	s3 =	stileid.u32  }
0x8: {  	s7 =	ssub.s32 $0x2, s5;
	s9 =	sshll.u32 s3, $0x8;
	s5 =	sshll.u32 s5, $0x7  }
0x9: {  	s21 =	simm.s32 $0x5;
	s22 =	simm.s32 $0x40C0;
	s5 =	sor.u32 s5, s9  }
0xa: {  	v0 =	vlaneseq.u32;
	s23 =	simm.s32 $0x6;
	s24 =	simm.s32 $0x7;
	s30 =	sor.u32 $0x10, s5;
	v1 =	vmov s5  }
0xb: {  	v7 =	vmul.u32 $0x2000, v0;
	s10 =	sor.u32 $0x30, s5;
	s31 =	sor.u32 $0x40, s5;
	s17 =	sor.u32 $0x50, s5;
	v0 =	vmov s30;
	v1 =	vshll.u32 v1, $0xD  }
0xc: {  	s25 =	simm.s32 $0x0;
	s18 =	sor.u32 $0x60, s5;
	s19 =	sor.u32 $0x70, s5;
	v3 =	vmov s10;
	v4 =	vmov s31;
	v5 =	vmov s17  }
0xd: {  	[smem:$0x7FF] =	sst s2;
	s4 =	sadd.s32 $0x400, s4;
	s8 =	sshrl.u32 s7, $0x1;
	v6 =	vmov s18;
	v8 =	vmov s19;
	v2 =	vshll.u32 v0, $0xD  }
0xe: {  	_ =	strace $0x80000047;
	s7 =	ssub.s32 s7, s8;
	s9 =	sor.u32 $0x20, s5;
	v0 =	vor.u32 v7, v1;
	v3 =	vshll.u32 v3, $0xD;
	v4 =	vshll.u32 v4, $0xD  }
0xf: {  	s5 =	sshrl.u32 s5, $0x3;
	s8 =	simm.s32 $0x800;
	s11 =	sshrl.u32 s31, $0x3;
	v5 =	vshll.u32 v5, $0xD;
	v6 =	vshll.u32 v6, $0xD;
	v8 =	vshll.u32 v8, $0xD  }
0x10: {  	s5 =	sadd.s32 s6, s5;
	s7 =	smax.u32 s7, $0x1;
	s10 =	simm.s32 $0x2080;
	v1 =	vor.u32 v7, v2;
	v2 =	vmov s9;
	v3 =	vor.u32 v7, v3  }
0x11: {  	s17 =	simm.s32 $0x2;
	s18 =	simm.s32 $0x3;
	s19 =	simm.s32 $0x4080;
	v4 =	vor.u32 v7, v4;
	v5 =	vor.u32 v7, v5;
	v2 =	vshll.u32 v2, $0xD  }
0x12: {  	s6 =	sadd.s32 s6, s11;
	s11 =	simm.s32 $0x880;
	s9 =	simm.s32 $0x80;
	v6 =	vor.u32 v7, v6;
	v2 =	vor.u32 v7, v2;
	v7 =	vor.u32 v7, v8  }
.LBB2_1:
0x13: {  	[tilespmem:s2], [sflag:$0x1] =	stream.linear.gather [hbm4b:s4+s2], $0x40, $0x38;
	[tilespmem:$0x4100] =	vst v63  }
0x14: {  	s26 =	simm.s32 $0x1  }
0x15: {  	_ =	swait.ge [sflag:s26], $0x40  }
0x16: {  	[sflag:s26] =	ssyncset.done $0x0  }
0x17: {  	[sflag:s26] =	ssyncadd.s32 $0xFFFFFFC0  }
0x18: {  	v8 =	vld.msk [tilespmem:s26+$0xFFFFFFFF ss:$0x0], $0xffff;
	_ =	sdelay $0x4  }
0x19: {  	s28 =	simm.s32 $0xC0;
	v9 =	vadd.s32 v0, v8  }
0x1a: {  	v10 =	vadd.s32 v2, v8;
	[tilespmem:s28+$0xFFFFFFC0] =	vst v9  }
0x1b: {  	v9 =	vadd.s32 v3, v8;
	[tilespmem:s28+$0xFFFFFFE0] =	vst v10  }
0x1c: {  	v8 =	vadd.s32 v1, v8;
	[tilespmem:s28+$0xFFFFFFF0] =	vst v9  }
0x1d: {  	[tilespmem:s28+$0xFFFFFFD0] =	vst v8  }
0x1e: {  	s30 =	simm.s32 $0x0;
	s29 =	simm.s32 $0xC0;
	v8 =	vld.msk [tilespmem:s26+$0x0 ss:$0x0], $0xffff  }
.LBB2_2:
0x1f: {  	_ =	sdelay $0x1  }
0x20: {  	s30 =	sadd.s32 $0x2, s30;
	s28 =	sadd.s32 $0x80, s28;
	s26 =	sadd.s32 $0x2, s26  }
0x21: {  	p0 =	slt.u32 s30, $0x1E  }
0x22: {  	v9 =	vadd.s32 v0, v8;
	v10 =	vadd.s32 v1, v8;
	v11 =	vadd.s32 v2, v8  }
0x23: {  	v8 =	vadd.s32 v3, v8;
	[tilespmem:s29+$0x0] =	vst v9  }
0x24: {  	[tilespmem:s29+$0x20] =	vst v11  }
0x25: {  	[tilespmem:s29+$0x10] =	vst v10  }
0x26: {  	[tilespmem:s29+$0x30] =	vst v8;
	s29 =	smov.u32 s28  }
0x27: {  	v8 =	vld.msk [tilespmem:s26+$0xFFFFFFFF ss:$0x0], $0xffff;
	_ =	sdelay $0x5  }
0x28: {  	v9 =	vadd.s32 v0, v8;
	v10 =	vadd.s32 v1, v8;
	v11 =	vadd.s32 v2, v8  }
.Ltmp0:
0x29: {  	v8 =	vadd.s32 v3, v8;
	[tilespmem:s28+$0xFFFFFFC0] =	vst v9;
	(pc) =	sbr.rel @p0 .LBB2_2-.Ltmp0, $4  }
0x2a: {  	[tilespmem:s28+$0xFFFFFFE0] =	vst v11  }
0x2b: {  	[tilespmem:s28+$0xFFFFFFF0] =	vst v8  }
0x2c: {  	[tilespmem:s28+$0xFFFFFFD0] =	vst v10  }
0x2d: {  	v8 =	vld.msk [tilespmem:s26+$0x0 ss:$0x0], $0xffff  }
0x2e: {  	_ =	sdelay $0x3  }
0x2f: {  	v9 =	vadd.s32 v0, v8  }
0x30: {  	v10 =	vadd.s32 v2, v8;
	[tilespmem:s29+$0x0] =	vst v9  }
0x31: {  	v9 =	vadd.s32 v1, v8;
	[tilespmem:s29+$0x20] =	vst v10  }
0x32: {  	v8 =	vadd.s32 v3, v8;
	[tilespmem:s29+$0x10] =	vst v9  }
0x33: {  	s26 =	simm.s32 $0x21;
	[tilespmem:s29+$0x30] =	vst v8  }
0x34: {  	[tilespmem:s10], [sflag:$0x2] =	stream.indirect.gather [hbm4b:s1+s8], $0x1, s9, s8, $0xb8;
	[tilespmem:$0x4100] =	vst v63  }
0x35: {  	v8 =	vld.msk [tilespmem:s26+$0xFFFFFFFF ss:$0x0], $0xffff;
	_ =	sdelay $0x4  }
0x36: {  	s28 =	simm.s32 $0x8F0;
	v9 =	vadd.s32 v0, v8  }
0x37: {  	v10 =	vadd.s32 v2, v8;
	[tilespmem:s28+$0xFFFFFF90] =	vst v9  }
0x38: {  	v9 =	vadd.s32 v3, v8;
	[tilespmem:s28+$0xFFFFFFB0] =	vst v10  }
0x39: {  	v8 =	vadd.s32 v1, v8;
	[tilespmem:s28+$0xFFFFFFC0] =	vst v9  }
0x3a: {  	[tilespmem:s28+$0xFFFFFFA0] =	vst v8  }
0x3b: {  	s30 =	simm.s32 $0x0;
	s29 =	simm.s32 $0x8F0;
	v8 =	vld.msk [tilespmem:s26+$0x0 ss:$0x0], $0xffff  }
.LBB2_4:
0x3c: {  	_ =	sdelay $0x1  }
0x3d: {  	s30 =	sadd.s32 $0x2, s30;
	s28 =	sadd.s32 $0x80, s28;
	s26 =	sadd.s32 $0x2, s26  }
0x3e: {  	p0 =	slt.u32 s30, $0x1E  }
0x3f: {  	v9 =	vadd.s32 v0, v8;
	v10 =	vadd.s32 v1, v8;
	v11 =	vadd.s32 v2, v8  }
0x40: {  	v8 =	vadd.s32 v3, v8;
	[tilespmem:s29+$0xFFFFFFD0] =	vst v9  }
0x41: {  	[tilespmem:s29+$0xFFFFFFF0] =	vst v11  }
0x42: {  	[tilespmem:s29+$0xFFFFFFE0] =	vst v10  }
0x43: {  	[tilespmem:s29+$0x0] =	vst v8;
	s29 =	smov.u32 s28  }
0x44: {  	v8 =	vld.msk [tilespmem:s26+$0xFFFFFFFF ss:$0x0], $0xffff;
	_ =	sdelay $0x5  }
0x45: {  	v9 =	vadd.s32 v0, v8;
	v10 =	vadd.s32 v1, v8;
	v11 =	vadd.s32 v2, v8  }
.Ltmp1:
0x46: {  	v8 =	vadd.s32 v3, v8;
	[tilespmem:s28+$0xFFFFFF90] =	vst v9;
	(pc) =	sbr.rel @p0 .LBB2_4-.Ltmp1, $4  }
0x47: {  	[tilespmem:s28+$0xFFFFFFB0] =	vst v11  }
0x48: {  	[tilespmem:s28+$0xFFFFFFC0] =	vst v8  }
0x49: {  	[tilespmem:s28+$0xFFFFFFA0] =	vst v10  }
0x4a: {  	v8 =	vld.msk [tilespmem:s26+$0x0 ss:$0x0], $0xffff  }
0x4b: {  	_ =	sdelay $0x3  }
0x4c: {  	v9 =	vadd.s32 v0, v8  }
0x4d: {  	v10 =	vadd.s32 v2, v8;
	[tilespmem:s29+$0xFFFFFFD0] =	vst v9  }
0x4e: {  	v9 =	vadd.s32 v1, v8;
	[tilespmem:s29+$0xFFFFFFF0] =	vst v10  }
0x4f: {  	v8 =	vadd.s32 v3, v8;
	[tilespmem:s29+$0xFFFFFFE0] =	vst v9  }
0x50: {  	s26 =	simm.s32 $0x1;
	[tilespmem:s29+$0x0] =	vst v8  }
0x51: {  	[tilespmem:s12], [sflag:$0x3] =	stream.indirect.gather [hbm4b:s1+s8], $0x1, s11, s8, $0xb8;
	[tilespmem:$0x4100] =	vst v63  }
0x52: {  	v8 =	vld.msk [tilespmem:s26+$0xFFFFFFFF ss:$0x0], $0xffff;
	_ =	sdelay $0x4  }
0x53: {  	s28 =	simm.s32 $0x10F0;
	v9 =	vadd.s32 v4, v8  }
0x54: {  	v10 =	vadd.s32 v6, v8;
	[tilespmem:s28+$0xFFFFFF90] =	vst v9  }
0x55: {  	v9 =	vadd.s32 v7, v8;
	[tilespmem:s28+$0xFFFFFFB0] =	vst v10  }
0x56: {  	v8 =	vadd.s32 v5, v8;
	[tilespmem:s28+$0xFFFFFFC0] =	vst v9  }
0x57: {  	[tilespmem:s28+$0xFFFFFFA0] =	vst v8  }
0x58: {  	s30 =	simm.s32 $0x0;
	s29 =	simm.s32 $0x10F0;
	v8 =	vld.msk [tilespmem:s26+$0x0 ss:$0x0], $0xffff  }
.LBB2_6:
0x59: {  	_ =	sdelay $0x1  }
0x5a: {  	s30 =	sadd.s32 $0x2, s30;
	s28 =	sadd.s32 $0x80, s28;
	s26 =	sadd.s32 $0x2, s26  }
0x5b: {  	p0 =	slt.u32 s30, $0x1E  }
0x5c: {  	v9 =	vadd.s32 v4, v8;
	v10 =	vadd.s32 v5, v8;
	v11 =	vadd.s32 v6, v8  }
0x5d: {  	v8 =	vadd.s32 v7, v8;
	[tilespmem:s29+$0xFFFFFFD0] =	vst v9  }
0x5e: {  	[tilespmem:s29+$0xFFFFFFF0] =	vst v11  }
0x5f: {  	[tilespmem:s29+$0xFFFFFFE0] =	vst v10  }
0x60: {  	[tilespmem:s29+$0x0] =	vst v8;
	s29 =	smov.u32 s28  }
0x61: {  	v8 =	vld.msk [tilespmem:s26+$0xFFFFFFFF ss:$0x0], $0xffff;
	_ =	sdelay $0x5  }
0x62: {  	v9 =	vadd.s32 v4, v8;
	v10 =	vadd.s32 v5, v8;
	v11 =	vadd.s32 v6, v8  }
.Ltmp2:
0x63: {  	v8 =	vadd.s32 v7, v8;
	[tilespmem:s28+$0xFFFFFF90] =	vst v9;
	(pc) =	sbr.rel @p0 .LBB2_6-.Ltmp2, $4  }
0x64: {  	[tilespmem:s28+$0xFFFFFFB0] =	vst v11  }
0x65: {  	[tilespmem:s28+$0xFFFFFFC0] =	vst v8  }
0x66: {  	[tilespmem:s28+$0xFFFFFFA0] =	vst v10  }
0x67: {  	v8 =	vld.msk [tilespmem:s26+$0x0 ss:$0x0], $0xffff  }
0x68: {  	_ =	sdelay $0x3  }
0x69: {  	v9 =	vadd.s32 v4, v8  }
0x6a: {  	v10 =	vadd.s32 v6, v8;
	[tilespmem:s29+$0xFFFFFFD0] =	vst v9  }
0x6b: {  	v9 =	vadd.s32 v5, v8;
	[tilespmem:s29+$0xFFFFFFF0] =	vst v10  }
0x6c: {  	v8 =	vadd.s32 v7, v8;
	[tilespmem:s29+$0xFFFFFFE0] =	vst v9  }
0x6d: {  	s26 =	simm.s32 $0x21;
	[tilespmem:s29+$0x0] =	vst v8  }
0x6e: {  	[tilespmem:s14], [sflag:$0x4] =	stream.indirect.gather [hbm4b:s1+s8], $0x1, s13, s8, $0xb8;
	[tilespmem:$0x4100] =	vst v63  }
0x6f: {  	v8 =	vld.msk [tilespmem:s26+$0xFFFFFFFF ss:$0x0], $0xffff;
	_ =	sdelay $0x4  }
0x70: {  	s28 =	simm.s32 $0x18F0;
	v9 =	vadd.s32 v4, v8  }
0x71: {  	v10 =	vadd.s32 v6, v8;
	[tilespmem:s28+$0xFFFFFF90] =	vst v9  }
0x72: {  	v9 =	vadd.s32 v7, v8;
	[tilespmem:s28+$0xFFFFFFB0] =	vst v10  }
0x73: {  	v8 =	vadd.s32 v5, v8;
	[tilespmem:s28+$0xFFFFFFC0] =	vst v9  }
0x74: {  	[tilespmem:s28+$0xFFFFFFA0] =	vst v8  }
0x75: {  	s30 =	simm.s32 $0x0;
	s29 =	simm.s32 $0x18F0;
	v8 =	vld.msk [tilespmem:s26+$0x0 ss:$0x0], $0xffff  }
.LBB2_8:
0x76: {  	_ =	sdelay $0x1  }
0x77: {  	s30 =	sadd.s32 $0x2, s30;
	s28 =	sadd.s32 $0x80, s28;
	s26 =	sadd.s32 $0x2, s26  }
0x78: {  	p0 =	slt.u32 s30, $0x1E  }
0x79: {  	v9 =	vadd.s32 v4, v8;
	v10 =	vadd.s32 v5, v8;
	v11 =	vadd.s32 v6, v8  }
0x7a: {  	v8 =	vadd.s32 v7, v8;
	[tilespmem:s29+$0xFFFFFFD0] =	vst v9  }
0x7b: {  	[tilespmem:s29+$0xFFFFFFF0] =	vst v11  }
0x7c: {  	[tilespmem:s29+$0xFFFFFFE0] =	vst v10  }
0x7d: {  	[tilespmem:s29+$0x0] =	vst v8;
	s29 =	smov.u32 s28  }
0x7e: {  	v8 =	vld.msk [tilespmem:s26+$0xFFFFFFFF ss:$0x0], $0xffff;
	_ =	sdelay $0x5  }
0x7f: {  	v9 =	vadd.s32 v4, v8;
	v10 =	vadd.s32 v5, v8;
	v11 =	vadd.s32 v6, v8  }
.Ltmp3:
0x80: {  	v8 =	vadd.s32 v7, v8;
	[tilespmem:s28+$0xFFFFFF90] =	vst v9;
	(pc) =	sbr.rel @p0 .LBB2_8-.Ltmp3, $4  }
0x81: {  	[tilespmem:s28+$0xFFFFFFB0] =	vst v11  }
0x82: {  	[tilespmem:s28+$0xFFFFFFC0] =	vst v8  }
0x83: {  	[tilespmem:s28+$0xFFFFFFA0] =	vst v10  }
0x84: {  	v8 =	vld.msk [tilespmem:s26+$0x0 ss:$0x0], $0xffff  }
0x85: {  	_ =	sdelay $0x3  }
0x86: {  	v9 =	vadd.s32 v4, v8  }
0x87: {  	v10 =	vadd.s32 v6, v8;
	[tilespmem:s29+$0xFFFFFFD0] =	vst v9  }
0x88: {  	v9 =	vadd.s32 v5, v8;
	[tilespmem:s29+$0xFFFFFFF0] =	vst v10  }
0x89: {  	v8 =	vadd.s32 v7, v8;
	[tilespmem:s29+$0xFFFFFFE0] =	vst v9  }
0x8a: {  	[tilespmem:s29+$0x0] =	vst v8  }
0x8b: {  	[tilespmem:s16], [sflag:$0x5] =	stream.indirect.gather [hbm4b:s1+s8], $0x1, s15, s8, $0xb8;
	[tilespmem:$0x4100] =	vst v63  }
0x8c: {  	_ =	swait.ge [sflag:s17], $0x800  }
0x8d: {  	[sflag:s17] =	ssyncset.done $0x0  }
0x8e: {  	s28 =	simm.s32 $0x20C0;
	[sflag:s17] =	ssyncadd.s32 $0xFFFFF800  }
0x8f: {  	v8 =	vld [tilespmem:s28+$0x0]  }
0x90: {  	v10 =	vld [tilespmem:s28+$0x10]  }
0x91: {  	v11 =	vld [tilespmem:s28+$0xFFFFFFC0]  }
0x92: {  	v12 =	vld [tilespmem:s28+$0xFFFFFFD0]  }
0x93: {  	v15 =	vld [tilespmem:s28+$0xFFFFFFE0]  }
0x94: {  	v17 =	vld [tilespmem:s28+$0xFFFFFFF0]  }
0x95: {  	v18 =	vimm.f32 $0.0e+00;
	v13 =	vld [tilespmem:s28+$0x20]  }
0x96: {  	s26 =	simm.s32 $0x0;
	v20 =	vimm.f32 $0.0e+00;
	v19 =	vimm.f32 $0.0e+00;
	v16 =	vimm.f32 $0.0e+00;
	v14 =	vld [tilespmem:s28+$0x30];
	s28 =	simm.s32 $0x2140  }
.LBB2_10:
0x97: {  	v9 =	vmul.f32 v8, v8;
	v8 =	vld [tilespmem:s28+$0x0];
	v21 =	vmul.f32 v10, v10  }
0x98: {  	v22 =	vmul.f32 v11, v11;
	v23 =	vmul.f32 v12, v12;
	s26 =	sadd.s32 $0x2, s26;
	v10 =	vld [tilespmem:s28+$0x10]  }
0x99: {  	v24 =	vmul.f32 v15, v15;
	p0 =	slt.u32 s26, $0x1E;
	v11 =	vld [tilespmem:s28+$0xFFFFFFC0];
	v17 =	vmul.f32 v17, v17  }
.Ltmp4:
0x9a: {  	v18 =	vadd.f32 v22, v18;
	v20 =	vadd.f32 v23, v20;
	v12 =	vld [tilespmem:s28+$0xFFFFFFD0];
	v22 =	vmul.f32 v13, v13;
	(pc) =	sbr.rel @p0 .LBB2_10-.Ltmp4, $4  }
0x9b: {  	v19 =	vadd.f32 v24, v19;
	v15 =	vld [tilespmem:s28+$0xFFFFFFE0];
	v16 =	vadd.f32 v17, v16;
	v14 =	vmul.f32 v14, v14  }
0x9c: {  	v18 =	vadd.f32 v9, v18;
	v20 =	vadd.f32 v21, v20;
	v17 =	vld [tilespmem:s28+$0xFFFFFFF0]  }
0x9d: {  	v19 =	vadd.f32 v22, v19;
	v13 =	vld [tilespmem:s28+$0x20];
	v16 =	vadd.f32 v14, v16  }
0x9e: {  	v14 =	vld [tilespmem:s28+$0x30];
	s28 =	sadd.s32 $0x80, s28  }
0x9f: {  	_ =	swait.ge [sflag:s18], $0x800  }
0xa0: {  	[sflag:s18] =	ssyncset.done $0x0  }
0xa1: {  	s28 =	simm.s32 $0x28F0;
	[sflag:s18] =	ssyncadd.s32 $0xFFFFF800  }
0xa2: {  	v9 =	vld [tilespmem:s28+$0xFFFFFFD0]  }
0xa3: {  	v21 =	vmul.f32 v11, v11;
	v11 =	vld [tilespmem:s28+$0xFFFFFFE0]  }
0xa4: {  	v22 =	vmul.f32 v12, v12;
	v23 =	vmul.f32 v15, v15;
	v12 =	vld [tilespmem:s28+$0xFFFFFF90]  }
0xa5: {  	v61 =	vmul.f32 v8, v8;
	v18 =	vadd.f32 v21, v18;
	v17 =	vmul.f32 v17, v17;
	v15 =	vld [tilespmem:s28+$0xFFFFFFA0]  }
0xa6: {  	v10 =	vmul.f32 v10, v10;
	v20 =	vadd.f32 v22, v20;
	v62 =	vadd.f32 v23, v19;
	v8 =	vld [tilespmem:s28+$0xFFFFFFB0]  }
0xa7: {  	v63 =	vmul.f32 v13, v13;
	v13 =	vld [tilespmem:s28+$0xFFFFFFC0];
	v24 =	vadd.f32 v17, v16;
	v25 =	vmul.f32 v14, v14  }
0xa8: {  	v19 =	vadd.f32 v61, v18;
	v14 =	vadd.f32 v10, v20;
	v17 =	vld [tilespmem:s28+$0xFFFFFFF0]  }
0xa9: {  	s26 =	simm.s32 $0x0;
	v18 =	vld [tilespmem:s28+$0x0];
	s28 =	simm.s32 $0x2970;
	v16 =	vadd.f32 v63, v62;
	v10 =	vadd.f32 v25, v24  }
.LBB2_12:
0xaa: {  	v20 =	vmul.f32 v9, v9;
	v9 =	vld [tilespmem:s28+$0xFFFFFFD0];
	v21 =	vmul.f32 v11, v11  }
0xab: {  	v22 =	vmul.f32 v12, v12;
	v23 =	vmul.f32 v15, v15;
	s26 =	sadd.s32 $0x2, s26;
	v11 =	vld [tilespmem:s28+$0xFFFFFFE0]  }
0xac: {  	v24 =	vmul.f32 v8, v8;
	p0 =	slt.u32 s26, $0x1E;
	v12 =	vld [tilespmem:s28+$0xFFFFFF90];
	v13 =	vmul.f32 v13, v13  }
.Ltmp5:
0xad: {  	v19 =	vadd.f32 v22, v19;
	v14 =	vadd.f32 v23, v14;
	v15 =	vld [tilespmem:s28+$0xFFFFFFA0];
	v22 =	vmul.f32 v17, v17;
	(pc) =	sbr.rel @p0 .LBB2_12-.Ltmp5, $4  }
0xae: {  	v16 =	vadd.f32 v24, v16;
	v8 =	vld [tilespmem:s28+$0xFFFFFFB0];
	v10 =	vadd.f32 v13, v10;
	v18 =	vmul.f32 v18, v18  }
0xaf: {  	v19 =	vadd.f32 v20, v19;
	v14 =	vadd.f32 v21, v14;
	v13 =	vld [tilespmem:s28+$0xFFFFFFC0]  }
0xb0: {  	v16 =	vadd.f32 v22, v16;
	v17 =	vld [tilespmem:s28+$0xFFFFFFF0];
	v10 =	vadd.f32 v18, v10  }
0xb1: {  	v18 =	vld [tilespmem:s28+$0x0];
	s28 =	sadd.s32 $0x80, s28  }
0xb2: {  	v12 =	vmul.f32 v12, v12  }
0xb3: {  	v15 =	vmul.f32 v15, v15  }
0xb4: {  	v9 =	vmul.f32 v9, v9;
	v8 =	vmul.f32 v8, v8;
	v12 =	vadd.f32 v12, v19  }
0xb5: {  	v11 =	vmul.f32 v11, v11;
	v13 =	vmul.f32 v13, v13;
	v14 =	vadd.f32 v15, v14  }
0xb6: {  	v15 =	vmul.f32 v17, v17;
	v8 =	vadd.f32 v8, v16;
	v9 =	vadd.f32 v9, v12  }
0xb7: {  	v10 =	vadd.f32 v13, v10;
	v12 =	vmul.f32 v18, v18;
	v11 =	vadd.f32 v11, v14  }
0xb8: {  	v8 =	vadd.f32 v15, v8;
	[tilespmem:$0x4080] =	vst v9  }
0xb9: {  	v9 =	vadd.f32 v12, v10;
	[tilespmem:$0x4090] =	vst v11  }
0xba: {  	[tilespmem:$0x40A0] =	vst v8  }
0xbb: {  	[tilespmem:$0x40B0] =	vst v9  }
0xbc: {  	[hbm4b:s5+s2] =	stream.linear.scatter [tilespmem:s19], [sflag:$0x6], $0x40, $0x38;
	[tilespmem:$0x4100] =	vst v63  }
0xbd: {  	_ =	swait.ge [sflag:s20], $0x800  }
0xbe: {  	[sflag:s20] =	ssyncset.done $0x0  }
0xbf: {  	s28 =	simm.s32 $0x30F0;
	[sflag:s20] =	ssyncadd.s32 $0xFFFFF800  }
0xc0: {  	v8 =	vld [tilespmem:s28+$0xFFFFFFD0]  }
0xc1: {  	v10 =	vld [tilespmem:s28+$0xFFFFFFE0]  }
0xc2: {  	v11 =	vld [tilespmem:s28+$0xFFFFFF90]  }
0xc3: {  	v12 =	vld [tilespmem:s28+$0xFFFFFFA0]  }
0xc4: {  	v15 =	vld [tilespmem:s28+$0xFFFFFFB0]  }
0xc5: {  	v17 =	vld [tilespmem:s28+$0xFFFFFFC0]  }
0xc6: {  	v20 =	vimm.f32 $0.0e+00;
	v13 =	vld [tilespmem:s28+$0xFFFFFFF0]  }
0xc7: {  	s26 =	simm.s32 $0x0;
	v19 =	vimm.f32 $0.0e+00;
	v16 =	vimm.f32 $0.0e+00;
	v18 =	vimm.f32 $0.0e+00;
	v14 =	vld [tilespmem:s28+$0x0];
	s28 =	simm.s32 $0x3170  }
.LBB2_14:
0xc8: {  	v9 =	vmul.f32 v8, v8;
	v8 =	vld [tilespmem:s28+$0xFFFFFFD0];
	v21 =	vmul.f32 v10, v10  }
0xc9: {  	v22 =	vmul.f32 v11, v11;
	v23 =	vmul.f32 v12, v12;
	s26 =	sadd.s32 $0x2, s26;
	v10 =	vld [tilespmem:s28+$0xFFFFFFE0]  }
0xca: {  	v24 =	vmul.f32 v15, v15;
	p0 =	slt.u32 s26, $0x1E;
	v11 =	vld [tilespmem:s28+$0xFFFFFF90];
	v17 =	vmul.f32 v17, v17  }
.Ltmp6:
0xcb: {  	v18 =	vadd.f32 v22, v18;
	v20 =	vadd.f32 v23, v20;
	v12 =	vld [tilespmem:s28+$0xFFFFFFA0];
	v22 =	vmul.f32 v13, v13;
	(pc) =	sbr.rel @p0 .LBB2_14-.Ltmp6, $4  }
0xcc: {  	v19 =	vadd.f32 v24, v19;
	v15 =	vld [tilespmem:s28+$0xFFFFFFB0];
	v16 =	vadd.f32 v17, v16;
	v14 =	vmul.f32 v14, v14  }
0xcd: {  	v18 =	vadd.f32 v9, v18;
	v20 =	vadd.f32 v21, v20;
	v17 =	vld [tilespmem:s28+$0xFFFFFFC0]  }
0xce: {  	v19 =	vadd.f32 v22, v19;
	v13 =	vld [tilespmem:s28+$0xFFFFFFF0];
	v16 =	vadd.f32 v14, v16  }
0xcf: {  	v14 =	vld [tilespmem:s28+$0x0];
	s28 =	sadd.s32 $0x80, s28  }
0xd0: {  	_ =	swait.ge [sflag:s21], $0x800  }
0xd1: {  	[sflag:s21] =	ssyncset.done $0x0  }
0xd2: {  	s28 =	simm.s32 $0x38F0;
	[sflag:s21] =	ssyncadd.s32 $0xFFFFF800  }
0xd3: {  	v9 =	vld [tilespmem:s28+$0xFFFFFFD0]  }
0xd4: {  	v21 =	vmul.f32 v11, v11;
	v11 =	vld [tilespmem:s28+$0xFFFFFFE0]  }
0xd5: {  	v22 =	vmul.f32 v12, v12;
	v23 =	vmul.f32 v15, v15;
	v12 =	vld [tilespmem:s28+$0xFFFFFF90]  }
0xd6: {  	v61 =	vmul.f32 v8, v8;
	v18 =	vadd.f32 v21, v18;
	v17 =	vmul.f32 v17, v17;
	v15 =	vld [tilespmem:s28+$0xFFFFFFA0]  }
0xd7: {  	v10 =	vmul.f32 v10, v10;
	v20 =	vadd.f32 v22, v20;
	v62 =	vadd.f32 v23, v19;
	v8 =	vld [tilespmem:s28+$0xFFFFFFB0]  }
0xd8: {  	v63 =	vmul.f32 v13, v13;
	v13 =	vld [tilespmem:s28+$0xFFFFFFC0];
	v24 =	vadd.f32 v17, v16;
	v25 =	vmul.f32 v14, v14  }
0xd9: {  	v19 =	vadd.f32 v61, v18;
	v14 =	vadd.f32 v10, v20;
	v17 =	vld [tilespmem:s28+$0xFFFFFFF0]  }
0xda: {  	s26 =	simm.s32 $0x0;
	v18 =	vld [tilespmem:s28+$0x0];
	s28 =	simm.s32 $0x3970;
	v16 =	vadd.f32 v63, v62;
	v10 =	vadd.f32 v25, v24  }
.LBB2_16:
0xdb: {  	v20 =	vmul.f32 v9, v9;
	v9 =	vld [tilespmem:s28+$0xFFFFFFD0];
	v21 =	vmul.f32 v11, v11  }
0xdc: {  	v22 =	vmul.f32 v12, v12;
	v23 =	vmul.f32 v15, v15;
	s26 =	sadd.s32 $0x2, s26;
	v11 =	vld [tilespmem:s28+$0xFFFFFFE0]  }
0xdd: {  	v24 =	vmul.f32 v8, v8;
	p0 =	slt.u32 s26, $0x1E;
	v12 =	vld [tilespmem:s28+$0xFFFFFF90];
	v13 =	vmul.f32 v13, v13  }
.Ltmp7:
0xde: {  	v19 =	vadd.f32 v22, v19;
	v14 =	vadd.f32 v23, v14;
	v15 =	vld [tilespmem:s28+$0xFFFFFFA0];
	v22 =	vmul.f32 v17, v17;
	(pc) =	sbr.rel @p0 .LBB2_16-.Ltmp7, $4  }
0xdf: {  	v16 =	vadd.f32 v24, v16;
	v8 =	vld [tilespmem:s28+$0xFFFFFFB0];
	v10 =	vadd.f32 v13, v10;
	v18 =	vmul.f32 v18, v18  }
0xe0: {  	v19 =	vadd.f32 v20, v19;
	v14 =	vadd.f32 v21, v14;
	v13 =	vld [tilespmem:s28+$0xFFFFFFC0]  }
0xe1: {  	v16 =	vadd.f32 v22, v16;
	v17 =	vld [tilespmem:s28+$0xFFFFFFF0];
	v10 =	vadd.f32 v18, v10  }
0xe2: {  	v18 =	vld [tilespmem:s28+$0x0];
	s28 =	sadd.s32 $0x80, s28  }
0xe3: {  	v12 =	vmul.f32 v12, v12  }
0xe4: {  	v15 =	vmul.f32 v15, v15  }
0xe5: {  	v9 =	vmul.f32 v9, v9;
	v8 =	vmul.f32 v8, v8;
	v12 =	vadd.f32 v12, v19  }
0xe6: {  	v11 =	vmul.f32 v11, v11;
	v13 =	vmul.f32 v13, v13;
	v14 =	vadd.f32 v15, v14  }
0xe7: {  	v61 =	vmul.f32 v17, v17;
	v8 =	vadd.f32 v8, v16;
	v9 =	vadd.f32 v9, v12  }
0xe8: {  	v10 =	vadd.f32 v13, v10;
	v62 =	vmul.f32 v18, v18;
	v11 =	vadd.f32 v11, v14  }
0xe9: {  	v8 =	vadd.f32 v61, v8;
	[tilespmem:$0x40C0] =	vst v9  }
0xea: {  	v63 =	vadd.f32 v62, v10;
	[tilespmem:$0x40D0] =	vst v11  }
0xeb: {  	[tilespmem:$0x40E0] =	vst v8  }
0xec: {  	s25 =	sadd.s32 $0x1, s25;
	[tilespmem:$0x40F0] =	vst v63  }
0xed: {  	[hbm4b:s6+s2] =	stream.linear.scatter [tilespmem:s22], [sflag:$0x7], $0x40, $0x38;
	[tilespmem:$0x4100] =	vst v63  }
0xee: {  	p0 =	sne.s32 s25, s7;
	_ =	swait.ge [sflag:s23], $0x40  }
.Ltmp8:
0xef: {  	[sflag:s23] =	ssyncset.done $0x0;
	(pc) =	sbr.rel @p0 .LBB2_1-.Ltmp8, $4  }
0xf0: {  	[sflag:s23] =	ssyncadd.s32 $0xFFFFFFC0  }
0xf1: {  	_ =	swait.ge [sflag:s24], $0x40  }
0xf2: {  	[sflag:s24] =	ssyncset.done $0x0  }
0xf3: {  	[sflag:s24] =	ssyncadd.s32 $0xFFFFFFC0  }
0xf4: {  	_ =	sfence.sel $0x180000  }
0xf5: {  	[bflag:$0x0] =	sbarrier.arrive $0xFFFF  }
0xf6: {  	p0 =	sne.s32 s3, $0x0;
	_ =	strace $0x90000047  }
0xf7: {  	s0 =	sadd.s32 @!p0 $0x100000, s0;
	[bflag:$0x2] =	sbarrier.arrive $0xFFFF  }
0xf8: {  	[sflag:s0] =	ssyncadd.tile.s32 @!p0 $0x1;
	_ =	shalt  }
.Lfunc_end2:
_tile_overlayer_lowered:
.L_overlay_start_2:
0xf9: {  	(tag) =	ssettag $0x2  }
0xfa: {  	s0 =	rddreg [dreg:$0x0];
	s2 =	stileid.u32  }
0xfb: {  	s1 =	rddreg [dreg:$0x1];
	p0 =	sne.s32 s2, $0x0  }
0xfc: {  	s3 =	rddreg [dreg:$0x2];
	[bflag:$0x3] =	sbarrier.arrive $0xFFFF;
	s2 =	simm.s32 @!p0 $0x1C08  }
0xfd: {  	[timem:s3], [sflag:s2] =	dma.local @!p0 [hbm:s0], s1  }
0xfe: {  	s0 =	simm.s32 @!p0 $0x8  }
0xff: {  	_ =	swait.ge @!p0 [sflag:s0], s1  }
0x100: {  	s1 =	ssub.s32 @!p0 $0x0, s1;
	[sflag:s0] =	ssyncset.done @!p0 $0x0  }
0x101: {  	[sflag:s0] =	ssyncadd.s32 @!p0 s1  }
0x102: {  	[bflag:$0x3] =	sbarrier.arrive $0xFFFF  }
0x103: {  	_ =	shalt  }

</sc_bundles>
